<compile_context>
chip_gen: v7x
topology: tpu7x:2x2x1
jax: 0.10.2.dev20260603
libtpu: 0.0.44.dev20260713+nightly
codegen_flags: <defaults>
</compile_context>

<pallas_src>
import functools

import jax
import jax.numpy as jnp
from jax import lax
from jax.experimental import pallas as pl
from jax.experimental.pallas import tpu as pltpu
from jax.experimental.pallas import tpu_sc as plsc

_NUM_CORES = 2
_NUM_SUBCORES = 16
_NUM_WORKERS = _NUM_CORES * _NUM_SUBCORES
_STAGE = 8192


@functools.lru_cache(maxsize=None)
def _make_gather(n, vocab):
    assert n % (8 * _NUM_WORKERS) == 0
    b_per_w = n // _NUM_WORKERS
    n_pieces = -(-vocab // _STAGE)
    tail = vocab - (n_pieces - 1) * _STAGE
    rounds = -(-n_pieces // _NUM_SUBCORES)
    mesh = plsc.VectorSubcoreMesh(core_axis_name="c", subcore_axis_name="s")

    @functools.partial(
        pl.kernel,
        mesh=mesh,
        out_type=jax.ShapeDtypeStruct((n,), jnp.int32),
        scratch_types=[
            pltpu.VMEM_SHARED((vocab,), jnp.int32),
            pltpu.VMEM((_STAGE,), jnp.int32),
            pltpu.VMEM((b_per_w,), jnp.int32),
            pltpu.VMEM((b_per_w,), jnp.int32),
            pltpu.SemaphoreType.DMA,
            pltpu.SemaphoreType.DMA,
        ],
    )
    def k(vocab_hbm, tok_hbm, out_hbm, table_sh, stage_v, idx_v, rows_v, sem, sem_in):
        sid = lax.axis_index("s")
        wid = sid * _NUM_CORES + lax.axis_index("c")
        base = wid * b_per_w
        in_cp = pltpu.async_copy(tok_hbm.at[pl.ds(base, b_per_w)], idx_v, sem_in)

        for r in range(rounds):
            q = r * _NUM_SUBCORES + sid

            @pl.when(q < n_pieces - 1)
            def _():
                p = q * _STAGE
                pltpu.sync_copy(vocab_hbm.at[pl.ds(p, _STAGE)], stage_v)
                pltpu.sync_copy(stage_v, table_sh.at[pl.ds(p, _STAGE)])

            @pl.when(q == n_pieces - 1)
            def _():
                p = q * _STAGE
                pltpu.sync_copy(vocab_hbm.at[pl.ds(p, tail)], stage_v.at[pl.ds(0, tail)])
                pltpu.sync_copy(stage_v.at[pl.ds(0, tail)], table_sh.at[pl.ds(p, tail)])

        in_cp.wait()
        plsc.subcore_barrier()
        pltpu.async_copy(table_sh.at[idx_v], rows_v, sem).wait()
        pltpu.sync_copy(rows_v, out_hbm.at[pl.ds(base, b_per_w)])

    return k


def kernel(tokens, vocab_map):
    batch, seq = tokens.shape
    flat = tokens.T.reshape(-1)
    out = _make_gather(flat.shape[0], vocab_map.shape[0])(vocab_map, flat)
    return out.reshape(seq, batch).T

# --- scband reference (transcript-rebuilt; emitter-appended) ---
"""Pipeline reference for scband-py-text-vocab-transform-1846835937440 (READ-ONLY COPY).

The authoritative reference and input builder live on the scoring server;
editing this copy changes nothing except your own understanding.
"""

import jax, jax.numpy as jnp
import numpy as np

VOCAB = 1000000
BATCH = 4096
SEQ = 200


def setup_inputs(seed: int = 0) -> dict:
    key = jax.random.key(seed)
    k1, k2 = jax.random.split(key)
    # tokens_list[List[List[str]]] is modeled as pre-hashed token ids (int32),
    # one row per sentence, SEQ tokens per sentence.
    tokens = jax.random.randint(k1, (BATCH, SEQ), 0, VOCAB, dtype=jnp.int32)
    # The vocab object is modeled as a remapping table: raw token id -> vocab id.
    vocab_map = jax.random.permutation(k2, jnp.arange(VOCAB, dtype=jnp.int32))
    return {"tokens": tokens, "vocab_map": vocab_map}


def reference(tokens, vocab_map):
    # vocab.lookup_all(tokens_list): a pure row-gather into the vocab table.
    ids = jnp.take(vocab_map, tokens, axis=0)
    return ids

if __name__ == "__main__":
    import jax
    _d = setup_inputs()
    print(jax.jit(kernel)(*tuple(_d.values())))

</pallas_src>

<mosaic_0001>
#map = affine_map<(d0, d1) -> (0)>
module attributes {stable_mosaic.version = 14 : i64} {
  func.func @k(%arg0: i32, %arg1: i32, %arg2: memref<1000000xi32, #tpu.memory_space<hbm>>, %arg3: memref<819200xi32, #tpu.memory_space<hbm>>, %arg4: memref<819200xi32, #tpu.memory_space<hbm>>, %arg5: memref<1000000xi32, #tpu.memory_space<vmem_shared>>, %arg6: memref<8192xi32, #tpu.memory_space<vmem>>, %arg7: memref<25600xi32, #tpu.memory_space<vmem>>, %arg8: memref<25600xi32, #tpu.memory_space<vmem>>, %arg9: memref<!tpu.dma_semaphore, #tpu.memory_space<semaphore_mem>>, %arg10: memref<!tpu.dma_semaphore, #tpu.memory_space<semaphore_mem>>) attributes {dimension_semantics = [#tpu.dimension_semantics<core_parallel>, #tpu.dimension_semantics<subcore_parallel>], iteration_bounds = array<i64: 2, 16>, scalar_prefetch = 0 : i64, scratch_operands = 6 : i64, tpu.core_type = #tpu.core_type<sc_vector_subcore>, window_params = [{transform_indices = #map}, {transform_indices = #map}, {transform_indices = #map}]} {
    %mul3A = arith.constant 2 : i32
    %mul3A_0 = arith.muli %arg1, %mul3A : i32
    %add3A = arith.addi %mul3A_0, %arg0 : i32
    %mul3A_1 = arith.constant 25600 : i32
    %mul3A_2 = arith.muli %add3A, %mul3A_1 : i32
    %dma_start3A = tpu.memref_slice %arg3[%mul3A_2] : memref<819200xi32, #tpu.memory_space<hbm>> -> memref<25600xi32, #tpu.memory_space<hbm>>
    %dma_start3A_3 = tpu.memref_slice %arg3[%mul3A_2] : memref<819200xi32, #tpu.memory_space<hbm>> -> memref<25600xi32, #tpu.memory_space<hbm>>
    tpu.enqueue_dma source(%dma_start3A_3 : memref<25600xi32, #tpu.memory_space<hbm>>) target(%arg7 : memref<25600xi32, #tpu.memory_space<vmem>>) target_semaphore(%arg10 : memref<!tpu.dma_semaphore, #tpu.memory_space<semaphore_mem>>)
    %add3A_4 = arith.constant 0 : i32
    %add3A_5 = arith.addi %add3A_4, %arg1 : i32
    %lt3A = arith.constant 122 : i32
    %lt3A_6 = arith.cmpi slt, %add3A_5, %lt3A : i32
    %convert_element_type3A = arith.extui %lt3A_6 : i1 to i32
    %cond3A = arith.constant 0 : i32
    %cond3A_7 = arith.cmpi ne, %convert_element_type3A, %cond3A : i32
    scf.if %cond3A_7 {
      %mul3A_101 = arith.constant 8192 : i32
      %mul3A_102 = arith.muli %add3A_5, %mul3A_101 : i32
      "tpu.region"() ({
        %run_scoped3A = tpu.sem_alloc : memref<!tpu.dma_semaphore, #tpu.memory_space<semaphore_mem>>
        %dma_start3A_103 = tpu.memref_slice %arg2[%mul3A_102] : memref<1000000xi32, #tpu.memory_space<hbm>> -> memref<8192xi32, #tpu.memory_space<hbm>>
        %dma_start3A_104 = tpu.memref_slice %arg2[%mul3A_102] : memref<1000000xi32, #tpu.memory_space<hbm>> -> memref<8192xi32, #tpu.memory_space<hbm>>
        tpu.enqueue_dma source(%dma_start3A_104 : memref<8192xi32, #tpu.memory_space<hbm>>) target(%arg6 : memref<8192xi32, #tpu.memory_space<vmem>>) target_semaphore(%run_scoped3A : memref<!tpu.dma_semaphore, #tpu.memory_space<semaphore_mem>>)
        %dma_wait3A_105 = tpu.memref_slice %arg2[%mul3A_102] : memref<1000000xi32, #tpu.memory_space<hbm>> -> memref<8192xi32, #tpu.memory_space<hbm>>
        %dma_wait3A_106 = tpu.memref_slice %arg2[%mul3A_102] : memref<1000000xi32, #tpu.memory_space<hbm>> -> memref<8192xi32, #tpu.memory_space<hbm>>
        tpu.wait_dma2 semaphore(%run_scoped3A : memref<!tpu.dma_semaphore, #tpu.memory_space<semaphore_mem>>) src(%dma_wait3A_106 : memref<8192xi32, #tpu.memory_space<hbm>>) dst(%arg6 : memref<8192xi32, #tpu.memory_space<vmem>>)
        tpu.yield
      }) : () -> ()
      "tpu.region"() ({
        %run_scoped3A = tpu.sem_alloc : memref<!tpu.dma_semaphore, #tpu.memory_space<semaphore_mem>>
        %dma_start3A_103 = tpu.memref_slice %arg5[%mul3A_102] : memref<1000000xi32, #tpu.memory_space<vmem_shared>> -> memref<8192xi32, #tpu.memory_space<vmem_shared>>
        %dma_start3A_104 = tpu.memref_slice %arg5[%mul3A_102] : memref<1000000xi32, #tpu.memory_space<vmem_shared>> -> memref<8192xi32, #tpu.memory_space<vmem_shared>>
        tpu.enqueue_dma source(%arg6 : memref<8192xi32, #tpu.memory_space<vmem>>) target(%dma_start3A_104 : memref<8192xi32, #tpu.memory_space<vmem_shared>>) target_semaphore(%run_scoped3A : memref<!tpu.dma_semaphore, #tpu.memory_space<semaphore_mem>>)
        %dma_wait3A_105 = tpu.memref_slice %arg5[%mul3A_102] : memref<1000000xi32, #tpu.memory_space<vmem_shared>> -> memref<8192xi32, #tpu.memory_space<vmem_shared>>
        %dma_wait3A_106 = tpu.memref_slice %arg5[%mul3A_102] : memref<1000000xi32, #tpu.memory_space<vmem_shared>> -> memref<8192xi32, #tpu.memory_space<vmem_shared>>
        tpu.wait_dma2 semaphore(%run_scoped3A : memref<!tpu.dma_semaphore, #tpu.memory_space<semaphore_mem>>) src(%arg6 : memref<8192xi32, #tpu.memory_space<vmem>>) dst(%dma_wait3A_106 : memref<8192xi32, #tpu.memory_space<vmem_shared>>)
        tpu.yield
      }) : () -> ()
    } else {
    }
    %eq3A = arith.constant 122 : i32
    %eq3A_8 = arith.cmpi eq, %add3A_5, %eq3A : i32
    %convert_element_type3A_9 = arith.extui %eq3A_8 : i1 to i32
    %cond3A_10 = arith.constant 0 : i32
    %cond3A_11 = arith.cmpi ne, %convert_element_type3A_9, %cond3A_10 : i32
    scf.if %cond3A_11 {
      %mul3A_101 = arith.constant 8192 : i32
      %mul3A_102 = arith.muli %add3A_5, %mul3A_101 : i32
      "tpu.region"() ({
        %run_scoped3A = tpu.sem_alloc : memref<!tpu.dma_semaphore, #tpu.memory_space<semaphore_mem>>
        %dma_start3A_103 = arith.constant 0 : i32
        %dma_start3A_104 = tpu.memref_slice %arg6[%dma_start3A_103] : memref<8192xi32, #tpu.memory_space<vmem>> -> memref<576xi32, #tpu.memory_space<vmem>>
        %dma_start3A_105 = tpu.memref_slice %arg2[%mul3A_102] : memref<1000000xi32, #tpu.memory_space<hbm>> -> memref<576xi32, #tpu.memory_space<hbm>>
        %dma_start3A_106 = arith.constant 0 : i32
        %dma_start3A_107 = tpu.memref_slice %arg6[%dma_start3A_106] : memref<8192xi32, #tpu.memory_space<vmem>> -> memref<576xi32, #tpu.memory_space<vmem>>
        %dma_start3A_108 = tpu.memref_slice %arg2[%mul3A_102] : memref<1000000xi32, #tpu.memory_space<hbm>> -> memref<576xi32, #tpu.memory_space<hbm>>
        tpu.enqueue_dma source(%dma_start3A_108 : memref<576xi32, #tpu.memory_space<hbm>>) target(%dma_start3A_107 : memref<576xi32, #tpu.memory_space<vmem>>) target_semaphore(%run_scoped3A : memref<!tpu.dma_semaphore, #tpu.memory_space<semaphore_mem>>)
        %dma_wait3A_109 = arith.constant 0 : i32
        %dma_wait3A_110 = tpu.memref_slice %arg6[%dma_wait3A_109] : memref<8192xi32, #tpu.memory_space<vmem>> -> memref<576xi32, #tpu.memory_space<vmem>>
        %dma_wait3A_111 = tpu.memref_slice %arg2[%mul3A_102] : memref<1000000xi32, #tpu.memory_space<hbm>> -> memref<576xi32, #tpu.memory_space<hbm>>
        %dma_wait3A_112 = arith.constant 0 : i32
        %dma_wait3A_113 = tpu.memref_slice %arg6[%dma_wait3A_112] : memref<8192xi32, #tpu.memory_space<vmem>> -> memref<576xi32, #tpu.memory_space<vmem>>
        %dma_wait3A_114 = tpu.memref_slice %arg2[%mul3A_102] : memref<1000000xi32, #tpu.memory_space<hbm>> -> memref<576xi32, #tpu.memory_space<hbm>>
        tpu.wait_dma2 semaphore(%run_scoped3A : memref<!tpu.dma_semaphore, #tpu.memory_space<semaphore_mem>>) src(%dma_wait3A_114 : memref<576xi32, #tpu.memory_space<hbm>>) dst(%dma_wait3A_113 : memref<576xi32, #tpu.memory_space<vmem>>)
        tpu.yield
      }) : () -> ()
      "tpu.region"() ({
        %run_scoped3A = tpu.sem_alloc : memref<!tpu.dma_semaphore, #tpu.memory_space<semaphore_mem>>
        %dma_start3A_103 = arith.constant 0 : i32
        %dma_start3A_104 = tpu.memref_slice %arg6[%dma_start3A_103] : memref<8192xi32, #tpu.memory_space<vmem>> -> memref<576xi32, #tpu.memory_space<vmem>>
        %dma_start3A_105 = tpu.memref_slice %arg5[%mul3A_102] : memref<1000000xi32, #tpu.memory_space<vmem_shared>> -> memref<576xi32, #tpu.memory_space<vmem_shared>>
        %dma_start3A_106 = tpu.memref_slice %arg5[%mul3A_102] : memref<1000000xi32, #tpu.memory_space<vmem_shared>> -> memref<576xi32, #tpu.memory_space<vmem_shared>>
        %dma_start3A_107 = arith.constant 0 : i32
        %dma_start3A_108 = tpu.memref_slice %arg6[%dma_start3A_107] : memref<8192xi32, #tpu.memory_space<vmem>> -> memref<576xi32, #tpu.memory_space<vmem>>
        tpu.enqueue_dma source(%dma_start3A_108 : memref<576xi32, #tpu.memory_space<vmem>>) target(%dma_start3A_106 : memref<576xi32, #tpu.memory_space<vmem_shared>>) target_semaphore(%run_scoped3A : memref<!tpu.dma_semaphore, #tpu.memory_space<semaphore_mem>>)
        %dma_wait3A_109 = arith.constant 0 : i32
        %dma_wait3A_110 = tpu.memref_slice %arg6[%dma_wait3A_109] : memref<8192xi32, #tpu.memory_space<vmem>> -> memref<576xi32, #tpu.memory_space<vmem>>
        %dma_wait3A_111 = tpu.memref_slice %arg5[%mul3A_102] : memref<1000000xi32, #tpu.memory_space<vmem_shared>> -> memref<576xi32, #tpu.memory_space<vmem_shared>>
        %dma_wait3A_112 = tpu.memref_slice %arg5[%mul3A_102] : memref<1000000xi32, #tpu.memory_space<vmem_shared>> -> memref<576xi32, #tpu.memory_space<vmem_shared>>
        %dma_wait3A_113 = arith.constant 0 : i32
        %dma_wait3A_114 = tpu.memref_slice %arg6[%dma_wait3A_113] : memref<8192xi32, #tpu.memory_space<vmem>> -> memref<576xi32, #tpu.memory_space<vmem>>
        tpu.wait_dma2 semaphore(%run_scoped3A : memref<!tpu.dma_semaphore, #tpu.memory_space<semaphore_mem>>) src(%dma_wait3A_114 : memref<576xi32, #tpu.memory_space<vmem>>) dst(%dma_wait3A_112 : memref<576xi32, #tpu.memory_space<vmem_shared>>)
        tpu.yield
      }) : () -> ()
    } else {
    }
    %add3A_12 = arith.constant 16 : i32
    %add3A_13 = arith.addi %add3A_12, %arg1 : i32
    %lt3A_14 = arith.constant 122 : i32
    %lt3A_15 = arith.cmpi slt, %add3A_13, %lt3A_14 : i32
    %convert_element_type3A_16 = arith.extui %lt3A_15 : i1 to i32
    %cond3A_17 = arith.constant 0 : i32
    %cond3A_18 = arith.cmpi ne, %convert_element_type3A_16, %cond3A_17 : i32
    scf.if %cond3A_18 {
      %mul3A_101 = arith.constant 8192 : i32
      %mul3A_102 = arith.muli %add3A_13, %mul3A_101 : i32
      "tpu.region"() ({
        %run_scoped3A = tpu.sem_alloc : memref<!tpu.dma_semaphore, #tpu.memory_space<semaphore_mem>>
        %dma_start3A_103 = tpu.memref_slice %arg2[%mul3A_102] : memref<1000000xi32, #tpu.memory_space<hbm>> -> memref<8192xi32, #tpu.memory_space<hbm>>
        %dma_start3A_104 = tpu.memref_slice %arg2[%mul3A_102] : memref<1000000xi32, #tpu.memory_space<hbm>> -> memref<8192xi32, #tpu.memory_space<hbm>>
        tpu.enqueue_dma source(%dma_start3A_104 : memref<8192xi32, #tpu.memory_space<hbm>>) target(%arg6 : memref<8192xi32, #tpu.memory_space<vmem>>) target_semaphore(%run_scoped3A : memref<!tpu.dma_semaphore, #tpu.memory_space<semaphore_mem>>)
        %dma_wait3A_105 = tpu.memref_slice %arg2[%mul3A_102] : memref<1000000xi32, #tpu.memory_space<hbm>> -> memref<8192xi32, #tpu.memory_space<hbm>>
        %dma_wait3A_106 = tpu.memref_slice %arg2[%mul3A_102] : memref<1000000xi32, #tpu.memory_space<hbm>> -> memref<8192xi32, #tpu.memory_space<hbm>>
        tpu.wait_dma2 semaphore(%run_scoped3A : memref<!tpu.dma_semaphore, #tpu.memory_space<semaphore_mem>>) src(%dma_wait3A_106 : memref<8192xi32, #tpu.memory_space<hbm>>) dst(%arg6 : memref<8192xi32, #tpu.memory_space<vmem>>)
        tpu.yield
      }) : () -> ()
      "tpu.region"() ({
        %run_scoped3A = tpu.sem_alloc : memref<!tpu.dma_semaphore, #tpu.memory_space<semaphore_mem>>
        %dma_start3A_103 = tpu.memref_slice %arg5[%mul3A_102] : memref<1000000xi32, #tpu.memory_space<vmem_shared>> -> memref<8192xi32, #tpu.memory_space<vmem_shared>>
        %dma_start3A_104 = tpu.memref_slice %arg5[%mul3A_102] : memref<1000000xi32, #tpu.memory_space<vmem_shared>> -> memref<8192xi32, #tpu.memory_space<vmem_shared>>
        tpu.enqueue_dma source(%arg6 : memref<8192xi32, #tpu.memory_space<vmem>>) target(%dma_start3A_104 : memref<8192xi32, #tpu.memory_space<vmem_shared>>) target_semaphore(%run_scoped3A : memref<!tpu.dma_semaphore, #tpu.memory_space<semaphore_mem>>)
        %dma_wait3A_105 = tpu.memref_slice %arg5[%mul3A_102] : memref<1000000xi32, #tpu.memory_space<vmem_shared>> -> memref<8192xi32, #tpu.memory_space<vmem_shared>>
        %dma_wait3A_106 = tpu.memref_slice %arg5[%mul3A_102] : memref<1000000xi32, #tpu.memory_space<vmem_shared>> -> memref<8192xi32, #tpu.memory_space<vmem_shared>>
        tpu.wait_dma2 semaphore(%run_scoped3A : memref<!tpu.dma_semaphore, #tpu.memory_space<semaphore_mem>>) src(%arg6 : memref<8192xi32, #tpu.memory_space<vmem>>) dst(%dma_wait3A_106 : memref<8192xi32, #tpu.memory_space<vmem_shared>>)
        tpu.yield
      }) : () -> ()
    } else {
    }
    %eq3A_19 = arith.constant 122 : i32
    %eq3A_20 = arith.cmpi eq, %add3A_13, %eq3A_19 : i32
    %convert_element_type3A_21 = arith.extui %eq3A_20 : i1 to i32
    %cond3A_22 = arith.constant 0 : i32
    %cond3A_23 = arith.cmpi ne, %convert_element_type3A_21, %cond3A_22 : i32
    scf.if %cond3A_23 {
      %mul3A_101 = arith.constant 8192 : i32
      %mul3A_102 = arith.muli %add3A_13, %mul3A_101 : i32
      "tpu.region"() ({
        %run_scoped3A = tpu.sem_alloc : memref<!tpu.dma_semaphore, #tpu.memory_space<semaphore_mem>>
        %dma_start3A_103 = arith.constant 0 : i32
        %dma_start3A_104 = tpu.memref_slice %arg6[%dma_start3A_103] : memref<8192xi32, #tpu.memory_space<vmem>> -> memref<576xi32, #tpu.memory_space<vmem>>
        %dma_start3A_105 = tpu.memref_slice %arg2[%mul3A_102] : memref<1000000xi32, #tpu.memory_space<hbm>> -> memref<576xi32, #tpu.memory_space<hbm>>
        %dma_start3A_106 = arith.constant 0 : i32
        %dma_start3A_107 = tpu.memref_slice %arg6[%dma_start3A_106] : memref<8192xi32, #tpu.memory_space<vmem>> -> memref<576xi32, #tpu.memory_space<vmem>>
        %dma_start3A_108 = tpu.memref_slice %arg2[%mul3A_102] : memref<1000000xi32, #tpu.memory_space<hbm>> -> memref<576xi32, #tpu.memory_space<hbm>>
        tpu.enqueue_dma source(%dma_start3A_108 : memref<576xi32, #tpu.memory_space<hbm>>) target(%dma_start3A_107 : memref<576xi32, #tpu.memory_space<vmem>>) target_semaphore(%run_scoped3A : memref<!tpu.dma_semaphore, #tpu.memory_space<semaphore_mem>>)
        %dma_wait3A_109 = arith.constant 0 : i32
        %dma_wait3A_110 = tpu.memref_slice %arg6[%dma_wait3A_109] : memref<8192xi32, #tpu.memory_space<vmem>> -> memref<576xi32, #tpu.memory_space<vmem>>
        %dma_wait3A_111 = tpu.memref_slice %arg2[%mul3A_102] : memref<1000000xi32, #tpu.memory_space<hbm>> -> memref<576xi32, #tpu.memory_space<hbm>>
        %dma_wait3A_112 = arith.constant 0 : i32
        %dma_wait3A_113 = tpu.memref_slice %arg6[%dma_wait3A_112] : memref<8192xi32, #tpu.memory_space<vmem>> -> memref<576xi32, #tpu.memory_space<vmem>>
        %dma_wait3A_114 = tpu.memref_slice %arg2[%mul3A_102] : memref<1000000xi32, #tpu.memory_space<hbm>> -> memref<576xi32, #tpu.memory_space<hbm>>
        tpu.wait_dma2 semaphore(%run_scoped3A : memref<!tpu.dma_semaphore, #tpu.memory_space<semaphore_mem>>) src(%dma_wait3A_114 : memref<576xi32, #tpu.memory_space<hbm>>) dst(%dma_wait3A_113 : memref<576xi32, #tpu.memory_space<vmem>>)
        tpu.yield
      }) : () -> ()
      "tpu.region"() ({
        %run_scoped3A = tpu.sem_alloc : memref<!tpu.dma_semaphore, #tpu.memory_space<semaphore_mem>>
        %dma_start3A_103 = arith.constant 0 : i32
        %dma_start3A_104 = tpu.memref_slice %arg6[%dma_start3A_103] : memref<8192xi32, #tpu.memory_space<vmem>> -> memref<576xi32, #tpu.memory_space<vmem>>
        %dma_start3A_105 = tpu.memref_slice %arg5[%mul3A_102] : memref<1000000xi32, #tpu.memory_space<vmem_shared>> -> memref<576xi32, #tpu.memory_space<vmem_shared>>
        %dma_start3A_106 = tpu.memref_slice %arg5[%mul3A_102] : memref<1000000xi32, #tpu.memory_space<vmem_shared>> -> memref<576xi32, #tpu.memory_space<vmem_shared>>
        %dma_start3A_107 = arith.constant 0 : i32
        %dma_start3A_108 = tpu.memref_slice %arg6[%dma_start3A_107] : memref<8192xi32, #tpu.memory_space<vmem>> -> memref<576xi32, #tpu.memory_space<vmem>>
        tpu.enqueue_dma source(%dma_start3A_108 : memref<576xi32, #tpu.memory_space<vmem>>) target(%dma_start3A_106 : memref<576xi32, #tpu.memory_space<vmem_shared>>) target_semaphore(%run_scoped3A : memref<!tpu.dma_semaphore, #tpu.memory_space<semaphore_mem>>)
        %dma_wait3A_109 = arith.constant 0 : i32
        %dma_wait3A_110 = tpu.memref_slice %arg6[%dma_wait3A_109] : memref<8192xi32, #tpu.memory_space<vmem>> -> memref<576xi32, #tpu.memory_space<vmem>>
        %dma_wait3A_111 = tpu.memref_slice %arg5[%mul3A_102] : memref<1000000xi32, #tpu.memory_space<vmem_shared>> -> memref<576xi32, #tpu.memory_space<vmem_shared>>
        %dma_wait3A_112 = tpu.memref_slice %arg5[%mul3A_102] : memref<1000000xi32, #tpu.memory_space<vmem_shared>> -> memref<576xi32, #tpu.memory_space<vmem_shared>>
        %dma_wait3A_113 = arith.constant 0 : i32
        %dma_wait3A_114 = tpu.memref_slice %arg6[%dma_wait3A_113] : memref<8192xi32, #tpu.memory_space<vmem>> -> memref<576xi32, #tpu.memory_space<vmem>>
        tpu.wait_dma2 semaphore(%run_scoped3A : memref<!tpu.dma_semaphore, #tpu.memory_space<semaphore_mem>>) src(%dma_wait3A_114 : memref<576xi32, #tpu.memory_space<vmem>>) dst(%dma_wait3A_112 : memref<576xi32, #tpu.memory_space<vmem_shared>>)
        tpu.yield
      }) : () -> ()
    } else {
    }
    %add3A_24 = arith.constant 32 : i32
    %add3A_25 = arith.addi %add3A_24, %arg1 : i32
    %lt3A_26 = arith.constant 122 : i32
    %lt3A_27 = arith.cmpi slt, %add3A_25, %lt3A_26 : i32
    %convert_element_type3A_28 = arith.extui %lt3A_27 : i1 to i32
    %cond3A_29 = arith.constant 0 : i32
    %cond3A_30 = arith.cmpi ne, %convert_element_type3A_28, %cond3A_29 : i32
    scf.if %cond3A_30 {
      %mul3A_101 = arith.constant 8192 : i32
      %mul3A_102 = arith.muli %add3A_25, %mul3A_101 : i32
      "tpu.region"() ({
        %run_scoped3A = tpu.sem_alloc : memref<!tpu.dma_semaphore, #tpu.memory_space<semaphore_mem>>
        %dma_start3A_103 = tpu.memref_slice %arg2[%mul3A_102] : memref<1000000xi32, #tpu.memory_space<hbm>> -> memref<8192xi32, #tpu.memory_space<hbm>>
        %dma_start3A_104 = tpu.memref_slice %arg2[%mul3A_102] : memref<1000000xi32, #tpu.memory_space<hbm>> -> memref<8192xi32, #tpu.memory_space<hbm>>
        tpu.enqueue_dma source(%dma_start3A_104 : memref<8192xi32, #tpu.memory_space<hbm>>) target(%arg6 : memref<8192xi32, #tpu.memory_space<vmem>>) target_semaphore(%run_scoped3A : memref<!tpu.dma_semaphore, #tpu.memory_space<semaphore_mem>>)
        %dma_wait3A_105 = tpu.memref_slice %arg2[%mul3A_102] : memref<1000000xi32, #tpu.memory_space<hbm>> -> memref<8192xi32, #tpu.memory_space<hbm>>
        %dma_wait3A_106 = tpu.memref_slice %arg2[%mul3A_102] : memref<1000000xi32, #tpu.memory_space<hbm>> -> memref<8192xi32, #tpu.memory_space<hbm>>
        tpu.wait_dma2 semaphore(%run_scoped3A : memref<!tpu.dma_semaphore, #tpu.memory_space<semaphore_mem>>) src(%dma_wait3A_106 : memref<8192xi32, #tpu.memory_space<hbm>>) dst(%arg6 : memref<8192xi32, #tpu.memory_space<vmem>>)
        tpu.yield
      }) : () -> ()
      "tpu.region"() ({
        %run_scoped3A = tpu.sem_alloc : memref<!tpu.dma_semaphore, #tpu.memory_space<semaphore_mem>>
        %dma_start3A_103 = tpu.memref_slice %arg5[%mul3A_102] : memref<1000000xi32, #tpu.memory_space<vmem_shared>> -> memref<8192xi32, #tpu.memory_space<vmem_shared>>
        %dma_start3A_104 = tpu.memref_slice %arg5[%mul3A_102] : memref<1000000xi32, #tpu.memory_space<vmem_shared>> -> memref<8192xi32, #tpu.memory_space<vmem_shared>>
        tpu.enqueue_dma source(%arg6 : memref<8192xi32, #tpu.memory_space<vmem>>) target(%dma_start3A_104 : memref<8192xi32, #tpu.memory_space<vmem_shared>>) target_semaphore(%run_scoped3A : memref<!tpu.dma_semaphore, #tpu.memory_space<semaphore_mem>>)
        %dma_wait3A_105 = tpu.memref_slice %arg5[%mul3A_102] : memref<1000000xi32, #tpu.memory_space<vmem_shared>> -> memref<8192xi32, #tpu.memory_space<vmem_shared>>
        %dma_wait3A_106 = tpu.memref_slice %arg5[%mul3A_102] : memref<1000000xi32, #tpu.memory_space<vmem_shared>> -> memref<8192xi32, #tpu.memory_space<vmem_shared>>
        tpu.wait_dma2 semaphore(%run_scoped3A : memref<!tpu.dma_semaphore, #tpu.memory_space<semaphore_mem>>) src(%arg6 : memref<8192xi32, #tpu.memory_space<vmem>>) dst(%dma_wait3A_106 : memref<8192xi32, #tpu.memory_space<vmem_shared>>)
        tpu.yield
      }) : () -> ()
    } else {
    }
    %eq3A_31 = arith.constant 122 : i32
    %eq3A_32 = arith.cmpi eq, %add3A_25, %eq3A_31 : i32
    %convert_element_type3A_33 = arith.extui %eq3A_32 : i1 to i32
    %cond3A_34 = arith.constant 0 : i32
    %cond3A_35 = arith.cmpi ne, %convert_element_type3A_33, %cond3A_34 : i32
    scf.if %cond3A_35 {
      %mul3A_101 = arith.constant 8192 : i32
      %mul3A_102 = arith.muli %add3A_25, %mul3A_101 : i32
      "tpu.region"() ({
        %run_scoped3A = tpu.sem_alloc : memref<!tpu.dma_semaphore, #tpu.memory_space<semaphore_mem>>
        %dma_start3A_103 = arith.constant 0 : i32
        %dma_start3A_104 = tpu.memref_slice %arg6[%dma_start3A_103] : memref<8192xi32, #tpu.memory_space<vmem>> -> memref<576xi32, #tpu.memory_space<vmem>>
        %dma_start3A_105 = tpu.memref_slice %arg2[%mul3A_102] : memref<1000000xi32, #tpu.memory_space<hbm>> -> memref<576xi32, #tpu.memory_space<hbm>>
        %dma_start3A_106 = arith.constant 0 : i32
        %dma_start3A_107 = tpu.memref_slice %arg6[%dma_start3A_106] : memref<8192xi32, #tpu.memory_space<vmem>> -> memref<576xi32, #tpu.memory_space<vmem>>
        %dma_start3A_108 = tpu.memref_slice %arg2[%mul3A_102] : memref<1000000xi32, #tpu.memory_space<hbm>> -> memref<576xi32, #tpu.memory_space<hbm>>
        tpu.enqueue_dma source(%dma_start3A_108 : memref<576xi32, #tpu.memory_space<hbm>>) target(%dma_start3A_107 : memref<576xi32, #tpu.memory_space<vmem>>) target_semaphore(%run_scoped3A : memref<!tpu.dma_semaphore, #tpu.memory_space<semaphore_mem>>)
        %dma_wait3A_109 = arith.constant 0 : i32
        %dma_wait3A_110 = tpu.memref_slice %arg6[%dma_wait3A_109] : memref<8192xi32, #tpu.memory_space<vmem>> -> memref<576xi32, #tpu.memory_space<vmem>>
        %dma_wait3A_111 = tpu.memref_slice %arg2[%mul3A_102] : memref<1000000xi32, #tpu.memory_space<hbm>> -> memref<576xi32, #tpu.memory_space<hbm>>
        %dma_wait3A_112 = arith.constant 0 : i32
        %dma_wait3A_113 = tpu.memref_slice %arg6[%dma_wait3A_112] : memref<8192xi32, #tpu.memory_space<vmem>> -> memref<576xi32, #tpu.memory_space<vmem>>
        %dma_wait3A_114 = tpu.memref_slice %arg2[%mul3A_102] : memref<1000000xi32, #tpu.memory_space<hbm>> -> memref<576xi32, #tpu.memory_space<hbm>>
        tpu.wait_dma2 semaphore(%run_scoped3A : memref<!tpu.dma_semaphore, #tpu.memory_space<semaphore_mem>>) src(%dma_wait3A_114 : memref<576xi32, #tpu.memory_space<hbm>>) dst(%dma_wait3A_113 : memref<576xi32, #tpu.memory_space<vmem>>)
        tpu.yield
      }) : () -> ()
      "tpu.region"() ({
        %run_scoped3A = tpu.sem_alloc : memref<!tpu.dma_semaphore, #tpu.memory_space<semaphore_mem>>
        %dma_start3A_103 = arith.constant 0 : i32
        %dma_start3A_104 = tpu.memref_slice %arg6[%dma_start3A_103] : memref<8192xi32, #tpu.memory_space<vmem>> -> memref<576xi32, #tpu.memory_space<vmem>>
        %dma_start3A_105 = tpu.memref_slice %arg5[%mul3A_102] : memref<1000000xi32, #tpu.memory_space<vmem_shared>> -> memref<576xi32, #tpu.memory_space<vmem_shared>>
        %dma_start3A_106 = tpu.memref_slice %arg5[%mul3A_102] : memref<1000000xi32, #tpu.memory_space<vmem_shared>> -> memref<576xi32, #tpu.memory_space<vmem_shared>>
        %dma_start3A_107 = arith.constant 0 : i32
        %dma_start3A_108 = tpu.memref_slice %arg6[%dma_start3A_107] : memref<8192xi32, #tpu.memory_space<vmem>> -> memref<576xi32, #tpu.memory_space<vmem>>
        tpu.enqueue_dma source(%dma_start3A_108 : memref<576xi32, #tpu.memory_space<vmem>>) target(%dma_start3A_106 : memref<576xi32, #tpu.memory_space<vmem_shared>>) target_semaphore(%run_scoped3A : memref<!tpu.dma_semaphore, #tpu.memory_space<semaphore_mem>>)
        %dma_wait3A_109 = arith.constant 0 : i32
        %dma_wait3A_110 = tpu.memref_slice %arg6[%dma_wait3A_109] : memref<8192xi32, #tpu.memory_space<vmem>> -> memref<576xi32, #tpu.memory_space<vmem>>
        %dma_wait3A_111 = tpu.memref_slice %arg5[%mul3A_102] : memref<1000000xi32, #tpu.memory_space<vmem_shared>> -> memref<576xi32, #tpu.memory_space<vmem_shared>>
        %dma_wait3A_112 = tpu.memref_slice %arg5[%mul3A_102] : memref<1000000xi32, #tpu.memory_space<vmem_shared>> -> memref<576xi32, #tpu.memory_space<vmem_shared>>
        %dma_wait3A_113 = arith.constant 0 : i32
        %dma_wait3A_114 = tpu.memref_slice %arg6[%dma_wait3A_113] : memref<8192xi32, #tpu.memory_space<vmem>> -> memref<576xi32, #tpu.memory_space<vmem>>
        tpu.wait_dma2 semaphore(%run_scoped3A : memref<!tpu.dma_semaphore, #tpu.memory_space<semaphore_mem>>) src(%dma_wait3A_114 : memref<576xi32, #tpu.memory_space<vmem>>) dst(%dma_wait3A_112 : memref<576xi32, #tpu.memory_space<vmem_shared>>)
        tpu.yield
      }) : () -> ()
    } else {
    }
    %add3A_36 = arith.constant 48 : i32
    %add3A_37 = arith.addi %add3A_36, %arg1 : i32
    %lt3A_38 = arith.constant 122 : i32
    %lt3A_39 = arith.cmpi slt, %add3A_37, %lt3A_38 : i32
    %convert_element_type3A_40 = arith.extui %lt3A_39 : i1 to i32
    %cond3A_41 = arith.constant 0 : i32
    %cond3A_42 = arith.cmpi ne, %convert_element_type3A_40, %cond3A_41 : i32
    scf.if %cond3A_42 {
      %mul3A_101 = arith.constant 8192 : i32
      %mul3A_102 = arith.muli %add3A_37, %mul3A_101 : i32
      "tpu.region"() ({
        %run_scoped3A = tpu.sem_alloc : memref<!tpu.dma_semaphore, #tpu.memory_space<semaphore_mem>>
        %dma_start3A_103 = tpu.memref_slice %arg2[%mul3A_102] : memref<1000000xi32, #tpu.memory_space<hbm>> -> memref<8192xi32, #tpu.memory_space<hbm>>
        %dma_start3A_104 = tpu.memref_slice %arg2[%mul3A_102] : memref<1000000xi32, #tpu.memory_space<hbm>> -> memref<8192xi32, #tpu.memory_space<hbm>>
        tpu.enqueue_dma source(%dma_start3A_104 : memref<8192xi32, #tpu.memory_space<hbm>>) target(%arg6 : memref<8192xi32, #tpu.memory_space<vmem>>) target_semaphore(%run_scoped3A : memref<!tpu.dma_semaphore, #tpu.memory_space<semaphore_mem>>)
        %dma_wait3A_105 = tpu.memref_slice %arg2[%mul3A_102] : memref<1000000xi32, #tpu.memory_space<hbm>> -> memref<8192xi32, #tpu.memory_space<hbm>>
        %dma_wait3A_106 = tpu.memref_slice %arg2[%mul3A_102] : memref<1000000xi32, #tpu.memory_space<hbm>> -> memref<8192xi32, #tpu.memory_space<hbm>>
        tpu.wait_dma2 semaphore(%run_scoped3A : memref<!tpu.dma_semaphore, #tpu.memory_space<semaphore_mem>>) src(%dma_wait3A_106 : memref<8192xi32, #tpu.memory_space<hbm>>) dst(%arg6 : memref<8192xi32, #tpu.memory_space<vmem>>)
        tpu.yield
      }) : () -> ()
      "tpu.region"() ({
        %run_scoped3A = tpu.sem_alloc : memref<!tpu.dma_semaphore, #tpu.memory_space<semaphore_mem>>
        %dma_start3A_103 = tpu.memref_slice %arg5[%mul3A_102] : memref<1000000xi32, #tpu.memory_space<vmem_shared>> -> memref<8192xi32, #tpu.memory_space<vmem_shared>>
        %dma_start3A_104 = tpu.memref_slice %arg5[%mul3A_102] : memref<1000000xi32, #tpu.memory_space<vmem_shared>> -> memref<8192xi32, #tpu.memory_space<vmem_shared>>
        tpu.enqueue_dma source(%arg6 : memref<8192xi32, #tpu.memory_space<vmem>>) target(%dma_start3A_104 : memref<8192xi32, #tpu.memory_space<vmem_shared>>) target_semaphore(%run_scoped3A : memref<!tpu.dma_semaphore, #tpu.memory_space<semaphore_mem>>)
        %dma_wait3A_105 = tpu.memref_slice %arg5[%mul3A_102] : memref<1000000xi32, #tpu.memory_space<vmem_shared>> -> memref<8192xi32, #tpu.memory_space<vmem_shared>>
        %dma_wait3A_106 = tpu.memref_slice %arg5[%mul3A_102] : memref<1000000xi32, #tpu.memory_space<vmem_shared>> -> memref<8192xi32, #tpu.memory_space<vmem_shared>>
        tpu.wait_dma2 semaphore(%run_scoped3A : memref<!tpu.dma_semaphore, #tpu.memory_space<semaphore_mem>>) src(%arg6 : memref<8192xi32, #tpu.memory_space<vmem>>) dst(%dma_wait3A_106 : memref<8192xi32, #tpu.memory_space<vmem_shared>>)
        tpu.yield
      }) : () -> ()
    } else {
    }
    %eq3A_43 = arith.constant 122 : i32
    %eq3A_44 = arith.cmpi eq, %add3A_37, %eq3A_43 : i32
    %convert_element_type3A_45 = arith.extui %eq3A_44 : i1 to i32
    %cond3A_46 = arith.constant 0 : i32
    %cond3A_47 = arith.cmpi ne, %convert_element_type3A_45, %cond3A_46 : i32
    scf.if %cond3A_47 {
      %mul3A_101 = arith.constant 8192 : i32
      %mul3A_102 = arith.muli %add3A_37, %mul3A_101 : i32
      "tpu.region"() ({
        %run_scoped3A = tpu.sem_alloc : memref<!tpu.dma_semaphore, #tpu.memory_space<semaphore_mem>>
        %dma_start3A_103 = arith.constant 0 : i32
        %dma_start3A_104 = tpu.memref_slice %arg6[%dma_start3A_103] : memref<8192xi32, #tpu.memory_space<vmem>> -> memref<576xi32, #tpu.memory_space<vmem>>
        %dma_start3A_105 = tpu.memref_slice %arg2[%mul3A_102] : memref<1000000xi32, #tpu.memory_space<hbm>> -> memref<576xi32, #tpu.memory_space<hbm>>
        %dma_start3A_106 = arith.constant 0 : i32
        %dma_start3A_107 = tpu.memref_slice %arg6[%dma_start3A_106] : memref<8192xi32, #tpu.memory_space<vmem>> -> memref<576xi32, #tpu.memory_space<vmem>>
        %dma_start3A_108 = tpu.memref_slice %arg2[%mul3A_102] : memref<1000000xi32, #tpu.memory_space<hbm>> -> memref<576xi32, #tpu.memory_space<hbm>>
        tpu.enqueue_dma source(%dma_start3A_108 : memref<576xi32, #tpu.memory_space<hbm>>) target(%dma_start3A_107 : memref<576xi32, #tpu.memory_space<vmem>>) target_semaphore(%run_scoped3A : memref<!tpu.dma_semaphore, #tpu.memory_space<semaphore_mem>>)
        %dma_wait3A_109 = arith.constant 0 : i32
        %dma_wait3A_110 = tpu.memref_slice %arg6[%dma_wait3A_109] : memref<8192xi32, #tpu.memory_space<vmem>> -> memref<576xi32, #tpu.memory_space<vmem>>
        %dma_wait3A_111 = tpu.memref_slice %arg2[%mul3A_102] : memref<1000000xi32, #tpu.memory_space<hbm>> -> memref<576xi32, #tpu.memory_space<hbm>>
        %dma_wait3A_112 = arith.constant 0 : i32
        %dma_wait3A_113 = tpu.memref_slice %arg6[%dma_wait3A_112] : memref<8192xi32, #tpu.memory_space<vmem>> -> memref<576xi32, #tpu.memory_space<vmem>>
        %dma_wait3A_114 = tpu.memref_slice %arg2[%mul3A_102] : memref<1000000xi32, #tpu.memory_space<hbm>> -> memref<576xi32, #tpu.memory_space<hbm>>
        tpu.wait_dma2 semaphore(%run_scoped3A : memref<!tpu.dma_semaphore, #tpu.memory_space<semaphore_mem>>) src(%dma_wait3A_114 : memref<576xi32, #tpu.memory_space<hbm>>) dst(%dma_wait3A_113 : memref<576xi32, #tpu.memory_space<vmem>>)
        tpu.yield
      }) : () -> ()
      "tpu.region"() ({
        %run_scoped3A = tpu.sem_alloc : memref<!tpu.dma_semaphore, #tpu.memory_space<semaphore_mem>>
        %dma_start3A_103 = arith.constant 0 : i32
        %dma_start3A_104 = tpu.memref_slice %arg6[%dma_start3A_103] : memref<8192xi32, #tpu.memory_space<vmem>> -> memref<576xi32, #tpu.memory_space<vmem>>
        %dma_start3A_105 = tpu.memref_slice %arg5[%mul3A_102] : memref<1000000xi32, #tpu.memory_space<vmem_shared>> -> memref<576xi32, #tpu.memory_space<vmem_shared>>
        %dma_start3A_106 = tpu.memref_slice %arg5[%mul3A_102] : memref<1000000xi32, #tpu.memory_space<vmem_shared>> -> memref<576xi32, #tpu.memory_space<vmem_shared>>
        %dma_start3A_107 = arith.constant 0 : i32
        %dma_start3A_108 = tpu.memref_slice %arg6[%dma_start3A_107] : memref<8192xi32, #tpu.memory_space<vmem>> -> memref<576xi32, #tpu.memory_space<vmem>>
        tpu.enqueue_dma source(%dma_start3A_108 : memref<576xi32, #tpu.memory_space<vmem>>) target(%dma_start3A_106 : memref<576xi32, #tpu.memory_space<vmem_shared>>) target_semaphore(%run_scoped3A : memref<!tpu.dma_semaphore, #tpu.memory_space<semaphore_mem>>)
        %dma_wait3A_109 = arith.constant 0 : i32
        %dma_wait3A_110 = tpu.memref_slice %arg6[%dma_wait3A_109] : memref<8192xi32, #tpu.memory_space<vmem>> -> memref<576xi32, #tpu.memory_space<vmem>>
        %dma_wait3A_111 = tpu.memref_slice %arg5[%mul3A_102] : memref<1000000xi32, #tpu.memory_space<vmem_shared>> -> memref<576xi32, #tpu.memory_space<vmem_shared>>
        %dma_wait3A_112 = tpu.memref_slice %arg5[%mul3A_102] : memref<1000000xi32, #tpu.memory_space<vmem_shared>> -> memref<576xi32, #tpu.memory_space<vmem_shared>>
        %dma_wait3A_113 = arith.constant 0 : i32
        %dma_wait3A_114 = tpu.memref_slice %arg6[%dma_wait3A_113] : memref<8192xi32, #tpu.memory_space<vmem>> -> memref<576xi32, #tpu.memory_space<vmem>>
        tpu.wait_dma2 semaphore(%run_scoped3A : memref<!tpu.dma_semaphore, #tpu.memory_space<semaphore_mem>>) src(%dma_wait3A_114 : memref<576xi32, #tpu.memory_space<vmem>>) dst(%dma_wait3A_112 : memref<576xi32, #tpu.memory_space<vmem_shared>>)
        tpu.yield
      }) : () -> ()
    } else {
    }
    %add3A_48 = arith.constant 64 : i32
    %add3A_49 = arith.addi %add3A_48, %arg1 : i32
    %lt3A_50 = arith.constant 122 : i32
    %lt3A_51 = arith.cmpi slt, %add3A_49, %lt3A_50 : i32
    %convert_element_type3A_52 = arith.extui %lt3A_51 : i1 to i32
    %cond3A_53 = arith.constant 0 : i32
    %cond3A_54 = arith.cmpi ne, %convert_element_type3A_52, %cond3A_53 : i32
    scf.if %cond3A_54 {
      %mul3A_101 = arith.constant 8192 : i32
      %mul3A_102 = arith.muli %add3A_49, %mul3A_101 : i32
      "tpu.region"() ({
        %run_scoped3A = tpu.sem_alloc : memref<!tpu.dma_semaphore, #tpu.memory_space<semaphore_mem>>
        %dma_start3A_103 = tpu.memref_slice %arg2[%mul3A_102] : memref<1000000xi32, #tpu.memory_space<hbm>> -> memref<8192xi32, #tpu.memory_space<hbm>>
        %dma_start3A_104 = tpu.memref_slice %arg2[%mul3A_102] : memref<1000000xi32, #tpu.memory_space<hbm>> -> memref<8192xi32, #tpu.memory_space<hbm>>
        tpu.enqueue_dma source(%dma_start3A_104 : memref<8192xi32, #tpu.memory_space<hbm>>) target(%arg6 : memref<8192xi32, #tpu.memory_space<vmem>>) target_semaphore(%run_scoped3A : memref<!tpu.dma_semaphore, #tpu.memory_space<semaphore_mem>>)
        %dma_wait3A_105 = tpu.memref_slice %arg2[%mul3A_102] : memref<1000000xi32, #tpu.memory_space<hbm>> -> memref<8192xi32, #tpu.memory_space<hbm>>
        %dma_wait3A_106 = tpu.memref_slice %arg2[%mul3A_102] : memref<1000000xi32, #tpu.memory_space<hbm>> -> memref<8192xi32, #tpu.memory_space<hbm>>
        tpu.wait_dma2 semaphore(%run_scoped3A : memref<!tpu.dma_semaphore, #tpu.memory_space<semaphore_mem>>) src(%dma_wait3A_106 : memref<8192xi32, #tpu.memory_space<hbm>>) dst(%arg6 : memref<8192xi32, #tpu.memory_space<vmem>>)
        tpu.yield
      }) : () -> ()
      "tpu.region"() ({
        %run_scoped3A = tpu.sem_alloc : memref<!tpu.dma_semaphore, #tpu.memory_space<semaphore_mem>>
        %dma_start3A_103 = tpu.memref_slice %arg5[%mul3A_102] : memref<1000000xi32, #tpu.memory_space<vmem_shared>> -> memref<8192xi32, #tpu.memory_space<vmem_shared>>
        %dma_start3A_104 = tpu.memref_slice %arg5[%mul3A_102] : memref<1000000xi32, #tpu.memory_space<vmem_shared>> -> memref<8192xi32, #tpu.memory_space<vmem_shared>>
        tpu.enqueue_dma source(%arg6 : memref<8192xi32, #tpu.memory_space<vmem>>) target(%dma_start3A_104 : memref<8192xi32, #tpu.memory_space<vmem_shared>>) target_semaphore(%run_scoped3A : memref<!tpu.dma_semaphore, #tpu.memory_space<semaphore_mem>>)
        %dma_wait3A_105 = tpu.memref_slice %arg5[%mul3A_102] : memref<1000000xi32, #tpu.memory_space<vmem_shared>> -> memref<8192xi32, #tpu.memory_space<vmem_shared>>
        %dma_wait3A_106 = tpu.memref_slice %arg5[%mul3A_102] : memref<1000000xi32, #tpu.memory_space<vmem_shared>> -> memref<8192xi32, #tpu.memory_space<vmem_shared>>
        tpu.wait_dma2 semaphore(%run_scoped3A : memref<!tpu.dma_semaphore, #tpu.memory_space<semaphore_mem>>) src(%arg6 : memref<8192xi32, #tpu.memory_space<vmem>>) dst(%dma_wait3A_106 : memref<8192xi32, #tpu.memory_space<vmem_shared>>)
        tpu.yield
      }) : () -> ()
    } else {
    }
    %eq3A_55 = arith.constant 122 : i32
    %eq3A_56 = arith.cmpi eq, %add3A_49, %eq3A_55 : i32
    %convert_element_type3A_57 = arith.extui %eq3A_56 : i1 to i32
    %cond3A_58 = arith.constant 0 : i32
    %cond3A_59 = arith.cmpi ne, %convert_element_type3A_57, %cond3A_58 : i32
    scf.if %cond3A_59 {
      %mul3A_101 = arith.constant 8192 : i32
      %mul3A_102 = arith.muli %add3A_49, %mul3A_101 : i32
      "tpu.region"() ({
        %run_scoped3A = tpu.sem_alloc : memref<!tpu.dma_semaphore, #tpu.memory_space<semaphore_mem>>
        %dma_start3A_103 = arith.constant 0 : i32
        %dma_start3A_104 = tpu.memref_slice %arg6[%dma_start3A_103] : memref<8192xi32, #tpu.memory_space<vmem>> -> memref<576xi32, #tpu.memory_space<vmem>>
        %dma_start3A_105 = tpu.memref_slice %arg2[%mul3A_102] : memref<1000000xi32, #tpu.memory_space<hbm>> -> memref<576xi32, #tpu.memory_space<hbm>>
        %dma_start3A_106 = arith.constant 0 : i32
        %dma_start3A_107 = tpu.memref_slice %arg6[%dma_start3A_106] : memref<8192xi32, #tpu.memory_space<vmem>> -> memref<576xi32, #tpu.memory_space<vmem>>
        %dma_start3A_108 = tpu.memref_slice %arg2[%mul3A_102] : memref<1000000xi32, #tpu.memory_space<hbm>> -> memref<576xi32, #tpu.memory_space<hbm>>
        tpu.enqueue_dma source(%dma_start3A_108 : memref<576xi32, #tpu.memory_space<hbm>>) target(%dma_start3A_107 : memref<576xi32, #tpu.memory_space<vmem>>) target_semaphore(%run_scoped3A : memref<!tpu.dma_semaphore, #tpu.memory_space<semaphore_mem>>)
        %dma_wait3A_109 = arith.constant 0 : i32
        %dma_wait3A_110 = tpu.memref_slice %arg6[%dma_wait3A_109] : memref<8192xi32, #tpu.memory_space<vmem>> -> memref<576xi32, #tpu.memory_space<vmem>>
        %dma_wait3A_111 = tpu.memref_slice %arg2[%mul3A_102] : memref<1000000xi32, #tpu.memory_space<hbm>> -> memref<576xi32, #tpu.memory_space<hbm>>
        %dma_wait3A_112 = arith.constant 0 : i32
        %dma_wait3A_113 = tpu.memref_slice %arg6[%dma_wait3A_112] : memref<8192xi32, #tpu.memory_space<vmem>> -> memref<576xi32, #tpu.memory_space<vmem>>
        %dma_wait3A_114 = tpu.memref_slice %arg2[%mul3A_102] : memref<1000000xi32, #tpu.memory_space<hbm>> -> memref<576xi32, #tpu.memory_space<hbm>>
        tpu.wait_dma2 semaphore(%run_scoped3A : memref<!tpu.dma_semaphore, #tpu.memory_space<semaphore_mem>>) src(%dma_wait3A_114 : memref<576xi32, #tpu.memory_space<hbm>>) dst(%dma_wait3A_113 : memref<576xi32, #tpu.memory_space<vmem>>)
        tpu.yield
      }) : () -> ()
      "tpu.region"() ({
        %run_scoped3A = tpu.sem_alloc : memref<!tpu.dma_semaphore, #tpu.memory_space<semaphore_mem>>
        %dma_start3A_103 = arith.constant 0 : i32
        %dma_start3A_104 = tpu.memref_slice %arg6[%dma_start3A_103] : memref<8192xi32, #tpu.memory_space<vmem>> -> memref<576xi32, #tpu.memory_space<vmem>>
        %dma_start3A_105 = tpu.memref_slice %arg5[%mul3A_102] : memref<1000000xi32, #tpu.memory_space<vmem_shared>> -> memref<576xi32, #tpu.memory_space<vmem_shared>>
        %dma_start3A_106 = tpu.memref_slice %arg5[%mul3A_102] : memref<1000000xi32, #tpu.memory_space<vmem_shared>> -> memref<576xi32, #tpu.memory_space<vmem_shared>>
        %dma_start3A_107 = arith.constant 0 : i32
        %dma_start3A_108 = tpu.memref_slice %arg6[%dma_start3A_107] : memref<8192xi32, #tpu.memory_space<vmem>> -> memref<576xi32, #tpu.memory_space<vmem>>
        tpu.enqueue_dma source(%dma_start3A_108 : memref<576xi32, #tpu.memory_space<vmem>>) target(%dma_start3A_106 : memref<576xi32, #tpu.memory_space<vmem_shared>>) target_semaphore(%run_scoped3A : memref<!tpu.dma_semaphore, #tpu.memory_space<semaphore_mem>>)
        %dma_wait3A_109 = arith.constant 0 : i32
        %dma_wait3A_110 = tpu.memref_slice %arg6[%dma_wait3A_109] : memref<8192xi32, #tpu.memory_space<vmem>> -> memref<576xi32, #tpu.memory_space<vmem>>
        %dma_wait3A_111 = tpu.memref_slice %arg5[%mul3A_102] : memref<1000000xi32, #tpu.memory_space<vmem_shared>> -> memref<576xi32, #tpu.memory_space<vmem_shared>>
        %dma_wait3A_112 = tpu.memref_slice %arg5[%mul3A_102] : memref<1000000xi32, #tpu.memory_space<vmem_shared>> -> memref<576xi32, #tpu.memory_space<vmem_shared>>
        %dma_wait3A_113 = arith.constant 0 : i32
        %dma_wait3A_114 = tpu.memref_slice %arg6[%dma_wait3A_113] : memref<8192xi32, #tpu.memory_space<vmem>> -> memref<576xi32, #tpu.memory_space<vmem>>
        tpu.wait_dma2 semaphore(%run_scoped3A : memref<!tpu.dma_semaphore, #tpu.memory_space<semaphore_mem>>) src(%dma_wait3A_114 : memref<576xi32, #tpu.memory_space<vmem>>) dst(%dma_wait3A_112 : memref<576xi32, #tpu.memory_space<vmem_shared>>)
        tpu.yield
      }) : () -> ()
    } else {
    }
    %add3A_60 = arith.constant 80 : i32
    %add3A_61 = arith.addi %add3A_60, %arg1 : i32
    %lt3A_62 = arith.constant 122 : i32
    %lt3A_63 = arith.cmpi slt, %add3A_61, %lt3A_62 : i32
    %convert_element_type3A_64 = arith.extui %lt3A_63 : i1 to i32
    %cond3A_65 = arith.constant 0 : i32
    %cond3A_66 = arith.cmpi ne, %convert_element_type3A_64, %cond3A_65 : i32
    scf.if %cond3A_66 {
      %mul3A_101 = arith.constant 8192 : i32
      %mul3A_102 = arith.muli %add3A_61, %mul3A_101 : i32
      "tpu.region"() ({
        %run_scoped3A = tpu.sem_alloc : memref<!tpu.dma_semaphore, #tpu.memory_space<semaphore_mem>>
        %dma_start3A_103 = tpu.memref_slice %arg2[%mul3A_102] : memref<1000000xi32, #tpu.memory_space<hbm>> -> memref<8192xi32, #tpu.memory_space<hbm>>
        %dma_start3A_104 = tpu.memref_slice %arg2[%mul3A_102] : memref<1000000xi32, #tpu.memory_space<hbm>> -> memref<8192xi32, #tpu.memory_space<hbm>>
        tpu.enqueue_dma source(%dma_start3A_104 : memref<8192xi32, #tpu.memory_space<hbm>>) target(%arg6 : memref<8192xi32, #tpu.memory_space<vmem>>) target_semaphore(%run_scoped3A : memref<!tpu.dma_semaphore, #tpu.memory_space<semaphore_mem>>)
        %dma_wait3A_105 = tpu.memref_slice %arg2[%mul3A_102] : memref<1000000xi32, #tpu.memory_space<hbm>> -> memref<8192xi32, #tpu.memory_space<hbm>>
        %dma_wait3A_106 = tpu.memref_slice %arg2[%mul3A_102] : memref<1000000xi32, #tpu.memory_space<hbm>> -> memref<8192xi32, #tpu.memory_space<hbm>>
        tpu.wait_dma2 semaphore(%run_scoped3A : memref<!tpu.dma_semaphore, #tpu.memory_space<semaphore_mem>>) src(%dma_wait3A_106 : memref<8192xi32, #tpu.memory_space<hbm>>) dst(%arg6 : memref<8192xi32, #tpu.memory_space<vmem>>)
        tpu.yield
      }) : () -> ()
      "tpu.region"() ({
        %run_scoped3A = tpu.sem_alloc : memref<!tpu.dma_semaphore, #tpu.memory_space<semaphore_mem>>
        %dma_start3A_103 = tpu.memref_slice %arg5[%mul3A_102] : memref<1000000xi32, #tpu.memory_space<vmem_shared>> -> memref<8192xi32, #tpu.memory_space<vmem_shared>>
        %dma_start3A_104 = tpu.memref_slice %arg5[%mul3A_102] : memref<1000000xi32, #tpu.memory_space<vmem_shared>> -> memref<8192xi32, #tpu.memory_space<vmem_shared>>
        tpu.enqueue_dma source(%arg6 : memref<8192xi32, #tpu.memory_space<vmem>>) target(%dma_start3A_104 : memref<8192xi32, #tpu.memory_space<vmem_shared>>) target_semaphore(%run_scoped3A : memref<!tpu.dma_semaphore, #tpu.memory_space<semaphore_mem>>)
        %dma_wait3A_105 = tpu.memref_slice %arg5[%mul3A_102] : memref<1000000xi32, #tpu.memory_space<vmem_shared>> -> memref<8192xi32, #tpu.memory_space<vmem_shared>>
        %dma_wait3A_106 = tpu.memref_slice %arg5[%mul3A_102] : memref<1000000xi32, #tpu.memory_space<vmem_shared>> -> memref<8192xi32, #tpu.memory_space<vmem_shared>>
        tpu.wait_dma2 semaphore(%run_scoped3A : memref<!tpu.dma_semaphore, #tpu.memory_space<semaphore_mem>>) src(%arg6 : memref<8192xi32, #tpu.memory_space<vmem>>) dst(%dma_wait3A_106 : memref<8192xi32, #tpu.memory_space<vmem_shared>>)
        tpu.yield
      }) : () -> ()
    } else {
    }
    %eq3A_67 = arith.constant 122 : i32
    %eq3A_68 = arith.cmpi eq, %add3A_61, %eq3A_67 : i32
    %convert_element_type3A_69 = arith.extui %eq3A_68 : i1 to i32
    %cond3A_70 = arith.constant 0 : i32
    %cond3A_71 = arith.cmpi ne, %convert_element_type3A_69, %cond3A_70 : i32
    scf.if %cond3A_71 {
      %mul3A_101 = arith.constant 8192 : i32
      %mul3A_102 = arith.muli %add3A_61, %mul3A_101 : i32
      "tpu.region"() ({
        %run_scoped3A = tpu.sem_alloc : memref<!tpu.dma_semaphore, #tpu.memory_space<semaphore_mem>>
        %dma_start3A_103 = arith.constant 0 : i32
        %dma_start3A_104 = tpu.memref_slice %arg6[%dma_start3A_103] : memref<8192xi32, #tpu.memory_space<vmem>> -> memref<576xi32, #tpu.memory_space<vmem>>
        %dma_start3A_105 = tpu.memref_slice %arg2[%mul3A_102] : memref<1000000xi32, #tpu.memory_space<hbm>> -> memref<576xi32, #tpu.memory_space<hbm>>
        %dma_start3A_106 = arith.constant 0 : i32
        %dma_start3A_107 = tpu.memref_slice %arg6[%dma_start3A_106] : memref<8192xi32, #tpu.memory_space<vmem>> -> memref<576xi32, #tpu.memory_space<vmem>>
        %dma_start3A_108 = tpu.memref_slice %arg2[%mul3A_102] : memref<1000000xi32, #tpu.memory_space<hbm>> -> memref<576xi32, #tpu.memory_space<hbm>>
        tpu.enqueue_dma source(%dma_start3A_108 : memref<576xi32, #tpu.memory_space<hbm>>) target(%dma_start3A_107 : memref<576xi32, #tpu.memory_space<vmem>>) target_semaphore(%run_scoped3A : memref<!tpu.dma_semaphore, #tpu.memory_space<semaphore_mem>>)
        %dma_wait3A_109 = arith.constant 0 : i32
        %dma_wait3A_110 = tpu.memref_slice %arg6[%dma_wait3A_109] : memref<8192xi32, #tpu.memory_space<vmem>> -> memref<576xi32, #tpu.memory_space<vmem>>
        %dma_wait3A_111 = tpu.memref_slice %arg2[%mul3A_102] : memref<1000000xi32, #tpu.memory_space<hbm>> -> memref<576xi32, #tpu.memory_space<hbm>>
        %dma_wait3A_112 = arith.constant 0 : i32
        %dma_wait3A_113 = tpu.memref_slice %arg6[%dma_wait3A_112] : memref<8192xi32, #tpu.memory_space<vmem>> -> memref<576xi32, #tpu.memory_space<vmem>>
        %dma_wait3A_114 = tpu.memref_slice %arg2[%mul3A_102] : memref<1000000xi32, #tpu.memory_space<hbm>> -> memref<576xi32, #tpu.memory_space<hbm>>
        tpu.wait_dma2 semaphore(%run_scoped3A : memref<!tpu.dma_semaphore, #tpu.memory_space<semaphore_mem>>) src(%dma_wait3A_114 : memref<576xi32, #tpu.memory_space<hbm>>) dst(%dma_wait3A_113 : memref<576xi32, #tpu.memory_space<vmem>>)
        tpu.yield
      }) : () -> ()
      "tpu.region"() ({
        %run_scoped3A = tpu.sem_alloc : memref<!tpu.dma_semaphore, #tpu.memory_space<semaphore_mem>>
        %dma_start3A_103 = arith.constant 0 : i32
        %dma_start3A_104 = tpu.memref_slice %arg6[%dma_start3A_103] : memref<8192xi32, #tpu.memory_space<vmem>> -> memref<576xi32, #tpu.memory_space<vmem>>
        %dma_start3A_105 = tpu.memref_slice %arg5[%mul3A_102] : memref<1000000xi32, #tpu.memory_space<vmem_shared>> -> memref<576xi32, #tpu.memory_space<vmem_shared>>
        %dma_start3A_106 = tpu.memref_slice %arg5[%mul3A_102] : memref<1000000xi32, #tpu.memory_space<vmem_shared>> -> memref<576xi32, #tpu.memory_space<vmem_shared>>
        %dma_start3A_107 = arith.constant 0 : i32
        %dma_start3A_108 = tpu.memref_slice %arg6[%dma_start3A_107] : memref<8192xi32, #tpu.memory_space<vmem>> -> memref<576xi32, #tpu.memory_space<vmem>>
        tpu.enqueue_dma source(%dma_start3A_108 : memref<576xi32, #tpu.memory_space<vmem>>) target(%dma_start3A_106 : memref<576xi32, #tpu.memory_space<vmem_shared>>) target_semaphore(%run_scoped3A : memref<!tpu.dma_semaphore, #tpu.memory_space<semaphore_mem>>)
        %dma_wait3A_109 = arith.constant 0 : i32
        %dma_wait3A_110 = tpu.memref_slice %arg6[%dma_wait3A_109] : memref<8192xi32, #tpu.memory_space<vmem>> -> memref<576xi32, #tpu.memory_space<vmem>>
        %dma_wait3A_111 = tpu.memref_slice %arg5[%mul3A_102] : memref<1000000xi32, #tpu.memory_space<vmem_shared>> -> memref<576xi32, #tpu.memory_space<vmem_shared>>
        %dma_wait3A_112 = tpu.memref_slice %arg5[%mul3A_102] : memref<1000000xi32, #tpu.memory_space<vmem_shared>> -> memref<576xi32, #tpu.memory_space<vmem_shared>>
        %dma_wait3A_113 = arith.constant 0 : i32
        %dma_wait3A_114 = tpu.memref_slice %arg6[%dma_wait3A_113] : memref<8192xi32, #tpu.memory_space<vmem>> -> memref<576xi32, #tpu.memory_space<vmem>>
        tpu.wait_dma2 semaphore(%run_scoped3A : memref<!tpu.dma_semaphore, #tpu.memory_space<semaphore_mem>>) src(%dma_wait3A_114 : memref<576xi32, #tpu.memory_space<vmem>>) dst(%dma_wait3A_112 : memref<576xi32, #tpu.memory_space<vmem_shared>>)
        tpu.yield
      }) : () -> ()
    } else {
    }
    %add3A_72 = arith.constant 96 : i32
    %add3A_73 = arith.addi %add3A_72, %arg1 : i32
    %lt3A_74 = arith.constant 122 : i32
    %lt3A_75 = arith.cmpi slt, %add3A_73, %lt3A_74 : i32
    %convert_element_type3A_76 = arith.extui %lt3A_75 : i1 to i32
    %cond3A_77 = arith.constant 0 : i32
    %cond3A_78 = arith.cmpi ne, %convert_element_type3A_76, %cond3A_77 : i32
    scf.if %cond3A_78 {
      %mul3A_101 = arith.constant 8192 : i32
      %mul3A_102 = arith.muli %add3A_73, %mul3A_101 : i32
      "tpu.region"() ({
        %run_scoped3A = tpu.sem_alloc : memref<!tpu.dma_semaphore, #tpu.memory_space<semaphore_mem>>
        %dma_start3A_103 = tpu.memref_slice %arg2[%mul3A_102] : memref<1000000xi32, #tpu.memory_space<hbm>> -> memref<8192xi32, #tpu.memory_space<hbm>>
        %dma_start3A_104 = tpu.memref_slice %arg2[%mul3A_102] : memref<1000000xi32, #tpu.memory_space<hbm>> -> memref<8192xi32, #tpu.memory_space<hbm>>
        tpu.enqueue_dma source(%dma_start3A_104 : memref<8192xi32, #tpu.memory_space<hbm>>) target(%arg6 : memref<8192xi32, #tpu.memory_space<vmem>>) target_semaphore(%run_scoped3A : memref<!tpu.dma_semaphore, #tpu.memory_space<semaphore_mem>>)
        %dma_wait3A_105 = tpu.memref_slice %arg2[%mul3A_102] : memref<1000000xi32, #tpu.memory_space<hbm>> -> memref<8192xi32, #tpu.memory_space<hbm>>
        %dma_wait3A_106 = tpu.memref_slice %arg2[%mul3A_102] : memref<1000000xi32, #tpu.memory_space<hbm>> -> memref<8192xi32, #tpu.memory_space<hbm>>
        tpu.wait_dma2 semaphore(%run_scoped3A : memref<!tpu.dma_semaphore, #tpu.memory_space<semaphore_mem>>) src(%dma_wait3A_106 : memref<8192xi32, #tpu.memory_space<hbm>>) dst(%arg6 : memref<8192xi32, #tpu.memory_space<vmem>>)
        tpu.yield
      }) : () -> ()
      "tpu.region"() ({
        %run_scoped3A = tpu.sem_alloc : memref<!tpu.dma_semaphore, #tpu.memory_space<semaphore_mem>>
        %dma_start3A_103 = tpu.memref_slice %arg5[%mul3A_102] : memref<1000000xi32, #tpu.memory_space<vmem_shared>> -> memref<8192xi32, #tpu.memory_space<vmem_shared>>
        %dma_start3A_104 = tpu.memref_slice %arg5[%mul3A_102] : memref<1000000xi32, #tpu.memory_space<vmem_shared>> -> memref<8192xi32, #tpu.memory_space<vmem_shared>>
        tpu.enqueue_dma source(%arg6 : memref<8192xi32, #tpu.memory_space<vmem>>) target(%dma_start3A_104 : memref<8192xi32, #tpu.memory_space<vmem_shared>>) target_semaphore(%run_scoped3A : memref<!tpu.dma_semaphore, #tpu.memory_space<semaphore_mem>>)
        %dma_wait3A_105 = tpu.memref_slice %arg5[%mul3A_102] : memref<1000000xi32, #tpu.memory_space<vmem_shared>> -> memref<8192xi32, #tpu.memory_space<vmem_shared>>
        %dma_wait3A_106 = tpu.memref_slice %arg5[%mul3A_102] : memref<1000000xi32, #tpu.memory_space<vmem_shared>> -> memref<8192xi32, #tpu.memory_space<vmem_shared>>
        tpu.wait_dma2 semaphore(%run_scoped3A : memref<!tpu.dma_semaphore, #tpu.memory_space<semaphore_mem>>) src(%arg6 : memref<8192xi32, #tpu.memory_space<vmem>>) dst(%dma_wait3A_106 : memref<8192xi32, #tpu.memory_space<vmem_shared>>)
        tpu.yield
      }) : () -> ()
    } else {
    }
    %eq3A_79 = arith.constant 122 : i32
    %eq3A_80 = arith.cmpi eq, %add3A_73, %eq3A_79 : i32
    %convert_element_type3A_81 = arith.extui %eq3A_80 : i1 to i32
    %cond3A_82 = arith.constant 0 : i32
    %cond3A_83 = arith.cmpi ne, %convert_element_type3A_81, %cond3A_82 : i32
    scf.if %cond3A_83 {
      %mul3A_101 = arith.constant 8192 : i32
      %mul3A_102 = arith.muli %add3A_73, %mul3A_101 : i32
      "tpu.region"() ({
        %run_scoped3A = tpu.sem_alloc : memref<!tpu.dma_semaphore, #tpu.memory_space<semaphore_mem>>
        %dma_start3A_103 = arith.constant 0 : i32
        %dma_start3A_104 = tpu.memref_slice %arg6[%dma_start3A_103] : memref<8192xi32, #tpu.memory_space<vmem>> -> memref<576xi32, #tpu.memory_space<vmem>>
        %dma_start3A_105 = tpu.memref_slice %arg2[%mul3A_102] : memref<1000000xi32, #tpu.memory_space<hbm>> -> memref<576xi32, #tpu.memory_space<hbm>>
        %dma_start3A_106 = arith.constant 0 : i32
        %dma_start3A_107 = tpu.memref_slice %arg6[%dma_start3A_106] : memref<8192xi32, #tpu.memory_space<vmem>> -> memref<576xi32, #tpu.memory_space<vmem>>
        %dma_start3A_108 = tpu.memref_slice %arg2[%mul3A_102] : memref<1000000xi32, #tpu.memory_space<hbm>> -> memref<576xi32, #tpu.memory_space<hbm>>
        tpu.enqueue_dma source(%dma_start3A_108 : memref<576xi32, #tpu.memory_space<hbm>>) target(%dma_start3A_107 : memref<576xi32, #tpu.memory_space<vmem>>) target_semaphore(%run_scoped3A : memref<!tpu.dma_semaphore, #tpu.memory_space<semaphore_mem>>)
        %dma_wait3A_109 = arith.constant 0 : i32
        %dma_wait3A_110 = tpu.memref_slice %arg6[%dma_wait3A_109] : memref<8192xi32, #tpu.memory_space<vmem>> -> memref<576xi32, #tpu.memory_space<vmem>>
        %dma_wait3A_111 = tpu.memref_slice %arg2[%mul3A_102] : memref<1000000xi32, #tpu.memory_space<hbm>> -> memref<576xi32, #tpu.memory_space<hbm>>
        %dma_wait3A_112 = arith.constant 0 : i32
        %dma_wait3A_113 = tpu.memref_slice %arg6[%dma_wait3A_112] : memref<8192xi32, #tpu.memory_space<vmem>> -> memref<576xi32, #tpu.memory_space<vmem>>
        %dma_wait3A_114 = tpu.memref_slice %arg2[%mul3A_102] : memref<1000000xi32, #tpu.memory_space<hbm>> -> memref<576xi32, #tpu.memory_space<hbm>>
        tpu.wait_dma2 semaphore(%run_scoped3A : memref<!tpu.dma_semaphore, #tpu.memory_space<semaphore_mem>>) src(%dma_wait3A_114 : memref<576xi32, #tpu.memory_space<hbm>>) dst(%dma_wait3A_113 : memref<576xi32, #tpu.memory_space<vmem>>)
        tpu.yield
      }) : () -> ()
      "tpu.region"() ({
        %run_scoped3A = tpu.sem_alloc : memref<!tpu.dma_semaphore, #tpu.memory_space<semaphore_mem>>
        %dma_start3A_103 = arith.constant 0 : i32
        %dma_start3A_104 = tpu.memref_slice %arg6[%dma_start3A_103] : memref<8192xi32, #tpu.memory_space<vmem>> -> memref<576xi32, #tpu.memory_space<vmem>>
        %dma_start3A_105 = tpu.memref_slice %arg5[%mul3A_102] : memref<1000000xi32, #tpu.memory_space<vmem_shared>> -> memref<576xi32, #tpu.memory_space<vmem_shared>>
        %dma_start3A_106 = tpu.memref_slice %arg5[%mul3A_102] : memref<1000000xi32, #tpu.memory_space<vmem_shared>> -> memref<576xi32, #tpu.memory_space<vmem_shared>>
        %dma_start3A_107 = arith.constant 0 : i32
        %dma_start3A_108 = tpu.memref_slice %arg6[%dma_start3A_107] : memref<8192xi32, #tpu.memory_space<vmem>> -> memref<576xi32, #tpu.memory_space<vmem>>
        tpu.enqueue_dma source(%dma_start3A_108 : memref<576xi32, #tpu.memory_space<vmem>>) target(%dma_start3A_106 : memref<576xi32, #tpu.memory_space<vmem_shared>>) target_semaphore(%run_scoped3A : memref<!tpu.dma_semaphore, #tpu.memory_space<semaphore_mem>>)
        %dma_wait3A_109 = arith.constant 0 : i32
        %dma_wait3A_110 = tpu.memref_slice %arg6[%dma_wait3A_109] : memref<8192xi32, #tpu.memory_space<vmem>> -> memref<576xi32, #tpu.memory_space<vmem>>
        %dma_wait3A_111 = tpu.memref_slice %arg5[%mul3A_102] : memref<1000000xi32, #tpu.memory_space<vmem_shared>> -> memref<576xi32, #tpu.memory_space<vmem_shared>>
        %dma_wait3A_112 = tpu.memref_slice %arg5[%mul3A_102] : memref<1000000xi32, #tpu.memory_space<vmem_shared>> -> memref<576xi32, #tpu.memory_space<vmem_shared>>
        %dma_wait3A_113 = arith.constant 0 : i32
        %dma_wait3A_114 = tpu.memref_slice %arg6[%dma_wait3A_113] : memref<8192xi32, #tpu.memory_space<vmem>> -> memref<576xi32, #tpu.memory_space<vmem>>
        tpu.wait_dma2 semaphore(%run_scoped3A : memref<!tpu.dma_semaphore, #tpu.memory_space<semaphore_mem>>) src(%dma_wait3A_114 : memref<576xi32, #tpu.memory_space<vmem>>) dst(%dma_wait3A_112 : memref<576xi32, #tpu.memory_space<vmem_shared>>)
        tpu.yield
      }) : () -> ()
    } else {
    }
    %add3A_84 = arith.constant 112 : i32
    %add3A_85 = arith.addi %add3A_84, %arg1 : i32
    %lt3A_86 = arith.constant 122 : i32
    %lt3A_87 = arith.cmpi slt, %add3A_85, %lt3A_86 : i32
    %convert_element_type3A_88 = arith.extui %lt3A_87 : i1 to i32
    %cond3A_89 = arith.constant 0 : i32
    %cond3A_90 = arith.cmpi ne, %convert_element_type3A_88, %cond3A_89 : i32
    scf.if %cond3A_90 {
      %mul3A_101 = arith.constant 8192 : i32
      %mul3A_102 = arith.muli %add3A_85, %mul3A_101 : i32
      "tpu.region"() ({
        %run_scoped3A = tpu.sem_alloc : memref<!tpu.dma_semaphore, #tpu.memory_space<semaphore_mem>>
        %dma_start3A_103 = tpu.memref_slice %arg2[%mul3A_102] : memref<1000000xi32, #tpu.memory_space<hbm>> -> memref<8192xi32, #tpu.memory_space<hbm>>
        %dma_start3A_104 = tpu.memref_slice %arg2[%mul3A_102] : memref<1000000xi32, #tpu.memory_space<hbm>> -> memref<8192xi32, #tpu.memory_space<hbm>>
        tpu.enqueue_dma source(%dma_start3A_104 : memref<8192xi32, #tpu.memory_space<hbm>>) target(%arg6 : memref<8192xi32, #tpu.memory_space<vmem>>) target_semaphore(%run_scoped3A : memref<!tpu.dma_semaphore, #tpu.memory_space<semaphore_mem>>)
        %dma_wait3A_105 = tpu.memref_slice %arg2[%mul3A_102] : memref<1000000xi32, #tpu.memory_space<hbm>> -> memref<8192xi32, #tpu.memory_space<hbm>>
        %dma_wait3A_106 = tpu.memref_slice %arg2[%mul3A_102] : memref<1000000xi32, #tpu.memory_space<hbm>> -> memref<8192xi32, #tpu.memory_space<hbm>>
        tpu.wait_dma2 semaphore(%run_scoped3A : memref<!tpu.dma_semaphore, #tpu.memory_space<semaphore_mem>>) src(%dma_wait3A_106 : memref<8192xi32, #tpu.memory_space<hbm>>) dst(%arg6 : memref<8192xi32, #tpu.memory_space<vmem>>)
        tpu.yield
      }) : () -> ()
      "tpu.region"() ({
        %run_scoped3A = tpu.sem_alloc : memref<!tpu.dma_semaphore, #tpu.memory_space<semaphore_mem>>
        %dma_start3A_103 = tpu.memref_slice %arg5[%mul3A_102] : memref<1000000xi32, #tpu.memory_space<vmem_shared>> -> memref<8192xi32, #tpu.memory_space<vmem_shared>>
        %dma_start3A_104 = tpu.memref_slice %arg5[%mul3A_102] : memref<1000000xi32, #tpu.memory_space<vmem_shared>> -> memref<8192xi32, #tpu.memory_space<vmem_shared>>
        tpu.enqueue_dma source(%arg6 : memref<8192xi32, #tpu.memory_space<vmem>>) target(%dma_start3A_104 : memref<8192xi32, #tpu.memory_space<vmem_shared>>) target_semaphore(%run_scoped3A : memref<!tpu.dma_semaphore, #tpu.memory_space<semaphore_mem>>)
        %dma_wait3A_105 = tpu.memref_slice %arg5[%mul3A_102] : memref<1000000xi32, #tpu.memory_space<vmem_shared>> -> memref<8192xi32, #tpu.memory_space<vmem_shared>>
        %dma_wait3A_106 = tpu.memref_slice %arg5[%mul3A_102] : memref<1000000xi32, #tpu.memory_space<vmem_shared>> -> memref<8192xi32, #tpu.memory_space<vmem_shared>>
        tpu.wait_dma2 semaphore(%run_scoped3A : memref<!tpu.dma_semaphore, #tpu.memory_space<semaphore_mem>>) src(%arg6 : memref<8192xi32, #tpu.memory_space<vmem>>) dst(%dma_wait3A_106 : memref<8192xi32, #tpu.memory_space<vmem_shared>>)
        tpu.yield
      }) : () -> ()
    } else {
    }
    %eq3A_91 = arith.constant 122 : i32
    %eq3A_92 = arith.cmpi eq, %add3A_85, %eq3A_91 : i32
    %convert_element_type3A_93 = arith.extui %eq3A_92 : i1 to i32
    %cond3A_94 = arith.constant 0 : i32
    %cond3A_95 = arith.cmpi ne, %convert_element_type3A_93, %cond3A_94 : i32
    scf.if %cond3A_95 {
      %mul3A_101 = arith.constant 8192 : i32
      %mul3A_102 = arith.muli %add3A_85, %mul3A_101 : i32
      "tpu.region"() ({
        %run_scoped3A = tpu.sem_alloc : memref<!tpu.dma_semaphore, #tpu.memory_space<semaphore_mem>>
        %dma_start3A_103 = arith.constant 0 : i32
        %dma_start3A_104 = tpu.memref_slice %arg6[%dma_start3A_103] : memref<8192xi32, #tpu.memory_space<vmem>> -> memref<576xi32, #tpu.memory_space<vmem>>
        %dma_start3A_105 = tpu.memref_slice %arg2[%mul3A_102] : memref<1000000xi32, #tpu.memory_space<hbm>> -> memref<576xi32, #tpu.memory_space<hbm>>
        %dma_start3A_106 = arith.constant 0 : i32
        %dma_start3A_107 = tpu.memref_slice %arg6[%dma_start3A_106] : memref<8192xi32, #tpu.memory_space<vmem>> -> memref<576xi32, #tpu.memory_space<vmem>>
        %dma_start3A_108 = tpu.memref_slice %arg2[%mul3A_102] : memref<1000000xi32, #tpu.memory_space<hbm>> -> memref<576xi32, #tpu.memory_space<hbm>>
        tpu.enqueue_dma source(%dma_start3A_108 : memref<576xi32, #tpu.memory_space<hbm>>) target(%dma_start3A_107 : memref<576xi32, #tpu.memory_space<vmem>>) target_semaphore(%run_scoped3A : memref<!tpu.dma_semaphore, #tpu.memory_space<semaphore_mem>>)
        %dma_wait3A_109 = arith.constant 0 : i32
        %dma_wait3A_110 = tpu.memref_slice %arg6[%dma_wait3A_109] : memref<8192xi32, #tpu.memory_space<vmem>> -> memref<576xi32, #tpu.memory_space<vmem>>
        %dma_wait3A_111 = tpu.memref_slice %arg2[%mul3A_102] : memref<1000000xi32, #tpu.memory_space<hbm>> -> memref<576xi32, #tpu.memory_space<hbm>>
        %dma_wait3A_112 = arith.constant 0 : i32
        %dma_wait3A_113 = tpu.memref_slice %arg6[%dma_wait3A_112] : memref<8192xi32, #tpu.memory_space<vmem>> -> memref<576xi32, #tpu.memory_space<vmem>>
        %dma_wait3A_114 = tpu.memref_slice %arg2[%mul3A_102] : memref<1000000xi32, #tpu.memory_space<hbm>> -> memref<576xi32, #tpu.memory_space<hbm>>
        tpu.wait_dma2 semaphore(%run_scoped3A : memref<!tpu.dma_semaphore, #tpu.memory_space<semaphore_mem>>) src(%dma_wait3A_114 : memref<576xi32, #tpu.memory_space<hbm>>) dst(%dma_wait3A_113 : memref<576xi32, #tpu.memory_space<vmem>>)
        tpu.yield
      }) : () -> ()
      "tpu.region"() ({
        %run_scoped3A = tpu.sem_alloc : memref<!tpu.dma_semaphore, #tpu.memory_space<semaphore_mem>>
        %dma_start3A_103 = arith.constant 0 : i32
        %dma_start3A_104 = tpu.memref_slice %arg6[%dma_start3A_103] : memref<8192xi32, #tpu.memory_space<vmem>> -> memref<576xi32, #tpu.memory_space<vmem>>
        %dma_start3A_105 = tpu.memref_slice %arg5[%mul3A_102] : memref<1000000xi32, #tpu.memory_space<vmem_shared>> -> memref<576xi32, #tpu.memory_space<vmem_shared>>
        %dma_start3A_106 = tpu.memref_slice %arg5[%mul3A_102] : memref<1000000xi32, #tpu.memory_space<vmem_shared>> -> memref<576xi32, #tpu.memory_space<vmem_shared>>
        %dma_start3A_107 = arith.constant 0 : i32
        %dma_start3A_108 = tpu.memref_slice %arg6[%dma_start3A_107] : memref<8192xi32, #tpu.memory_space<vmem>> -> memref<576xi32, #tpu.memory_space<vmem>>
        tpu.enqueue_dma source(%dma_start3A_108 : memref<576xi32, #tpu.memory_space<vmem>>) target(%dma_start3A_106 : memref<576xi32, #tpu.memory_space<vmem_shared>>) target_semaphore(%run_scoped3A : memref<!tpu.dma_semaphore, #tpu.memory_space<semaphore_mem>>)
        %dma_wait3A_109 = arith.constant 0 : i32
        %dma_wait3A_110 = tpu.memref_slice %arg6[%dma_wait3A_109] : memref<8192xi32, #tpu.memory_space<vmem>> -> memref<576xi32, #tpu.memory_space<vmem>>
        %dma_wait3A_111 = tpu.memref_slice %arg5[%mul3A_102] : memref<1000000xi32, #tpu.memory_space<vmem_shared>> -> memref<576xi32, #tpu.memory_space<vmem_shared>>
        %dma_wait3A_112 = tpu.memref_slice %arg5[%mul3A_102] : memref<1000000xi32, #tpu.memory_space<vmem_shared>> -> memref<576xi32, #tpu.memory_space<vmem_shared>>
        %dma_wait3A_113 = arith.constant 0 : i32
        %dma_wait3A_114 = tpu.memref_slice %arg6[%dma_wait3A_113] : memref<8192xi32, #tpu.memory_space<vmem>> -> memref<576xi32, #tpu.memory_space<vmem>>
        tpu.wait_dma2 semaphore(%run_scoped3A : memref<!tpu.dma_semaphore, #tpu.memory_space<semaphore_mem>>) src(%dma_wait3A_114 : memref<576xi32, #tpu.memory_space<vmem>>) dst(%dma_wait3A_112 : memref<576xi32, #tpu.memory_space<vmem_shared>>)
        tpu.yield
      }) : () -> ()
    } else {
    }
    %dma_wait3A = tpu.memref_slice %arg3[%mul3A_2] : memref<819200xi32, #tpu.memory_space<hbm>> -> memref<25600xi32, #tpu.memory_space<hbm>>
    %dma_wait3A_96 = tpu.memref_slice %arg3[%mul3A_2] : memref<819200xi32, #tpu.memory_space<hbm>> -> memref<25600xi32, #tpu.memory_space<hbm>>
    tpu.wait_dma2 semaphore(%arg10 : memref<!tpu.dma_semaphore, #tpu.memory_space<semaphore_mem>>) src(%dma_wait3A_96 : memref<25600xi32, #tpu.memory_space<hbm>>) dst(%arg7 : memref<25600xi32, #tpu.memory_space<vmem>>)
    %barrier3A = arith.constant 0 : index
    tpu.barrier barrier_id(%barrier3A)
    %dma_start3A_97 = arith.constant 0 : i32
    %dma_start3A_98 = tpu.memref_slice %arg5[%dma_start3A_97] : memref<1000000xi32, #tpu.memory_space<vmem_shared>> -> memref<1000000xi32, #tpu.memory_space<vmem_shared>>
    tpu.enqueue_indirect_dma source(%dma_start3A_98 : memref<1000000xi32, #tpu.memory_space<vmem_shared>>) target(%arg8 : memref<25600xi32, #tpu.memory_space<vmem>>) offsets(%arg7 : memref<25600xi32, #tpu.memory_space<vmem>>) semaphore(%arg9 : memref<!tpu.dma_semaphore, #tpu.memory_space<semaphore_mem>>)
    %dma_wait3A_99 = arith.constant 0 : i32
    %dma_wait3A_100 = tpu.memref_slice %arg5[%dma_wait3A_99] : memref<1000000xi32, #tpu.memory_space<vmem_shared>> -> memref<1000000xi32, #tpu.memory_space<vmem_shared>>
    tpu.wait_indirect_dma semaphore(%arg9 : memref<!tpu.dma_semaphore, #tpu.memory_space<semaphore_mem>>) src(%dma_wait3A_100 : memref<1000000xi32, #tpu.memory_space<vmem_shared>>) dst(%arg8 : memref<25600xi32, #tpu.memory_space<vmem>>)
    "tpu.region"() ({
      %run_scoped3A = tpu.sem_alloc : memref<!tpu.dma_semaphore, #tpu.memory_space<semaphore_mem>>
      %dma_start3A_101 = tpu.memref_slice %arg4[%mul3A_2] : memref<819200xi32, #tpu.memory_space<hbm>> -> memref<25600xi32, #tpu.memory_space<hbm>>
      %dma_start3A_102 = tpu.memref_slice %arg4[%mul3A_2] : memref<819200xi32, #tpu.memory_space<hbm>> -> memref<25600xi32, #tpu.memory_space<hbm>>
      tpu.enqueue_dma source(%arg8 : memref<25600xi32, #tpu.memory_space<vmem>>) target(%dma_start3A_102 : memref<25600xi32, #tpu.memory_space<hbm>>) target_semaphore(%run_scoped3A : memref<!tpu.dma_semaphore, #tpu.memory_space<semaphore_mem>>)
      %dma_wait3A_103 = tpu.memref_slice %arg4[%mul3A_2] : memref<819200xi32, #tpu.memory_space<hbm>> -> memref<25600xi32, #tpu.memory_space<hbm>>
      %dma_wait3A_104 = tpu.memref_slice %arg4[%mul3A_2] : memref<819200xi32, #tpu.memory_space<hbm>> -> memref<25600xi32, #tpu.memory_space<hbm>>
      tpu.wait_dma2 semaphore(%run_scoped3A : memref<!tpu.dma_semaphore, #tpu.memory_space<semaphore_mem>>) src(%arg8 : memref<25600xi32, #tpu.memory_space<vmem>>) dst(%dma_wait3A_104 : memref<25600xi32, #tpu.memory_space<hbm>>)
      tpu.yield
    }) : () -> ()
    return
  }
}

</mosaic_0001>

<sc_bundles>
// kernel: kernel.3.cloned.1.call-start
scs
__scs_entry_jumppad:
0x0: {  	(pc) =	sbr.rel $0x88, $3  }
0x1: {  	(tag) =	ssettag $0x0;
	lr =	simm.s32 $0x1  }
0x2: {  	[smem:$0x3F9F] =	sst lr;
	_ =	strace $0xD0000000  }
0x3: {  	_ = 	snop  }
0x4: {  	_ = 	snop  }
0x5: {  	_ = 	snop  }
0x6: {  	_ = 	snop  }
0x7: {  	_ = 	snop  }
__scs_overlays_trampoline_lowered:
0x8: {  	[smem:$0x3FAE] =	sst s0  }
0x9: {  	[smem:$0x3FAF] =	sst s1  }
0xa: {  	[smem:$0x3FB0] =	sst s2  }
0xb: {  	[smem:$0x3FB1] =	sst s3  }
0xc: {  	[smem:$0x3FB2] =	sst s4  }
0xd: {  	[smem:$0x3FB3] =	sst s5  }
0xe: {  	[smem:$0x3FB4] =	sst s6  }
0xf: {  	[smem:$0x3FB5] =	sst s7  }
0x10: {  	[smem:$0x3FB6] =	sst s8  }
0x11: {  	[smem:$0x3FB7] =	sst s9;
	s0 =	simm.s32 @!p0 $0x0  }
0x12: {  	s1 =	sld [smem:$0x3F9D];
	s0 =	simm.s32 @p0 $0x1  }
0x13: {  	[smem:$0x3FB8] =	sst s0;
	s0 =	simm.s32 @!p1 $0x0  }
0x14: {  	s2 =	sld [smem:$0x3F9C];
	s0 =	simm.s32 @p1 $0x1  }
0x15: {  	[smem:$0x3FB9] =	sst s0;
	s0 =	simm.s32 @!p2 $0x0  }
0x16: {  	s3 =	sld [smem:$0x3FDB];
	s0 =	simm.s32 @p2 $0x1  }
0x17: {  	s4 =	simm.s32 $0x1BF5;
	[smem:$0x3FBB] =	sst s0  }
0x18: {  	s0 =	sld [smem:$0x3F9E];
	_ =	swait.ge [sflag:s4], $0x0  }
0x19: {  	s7 =	sld [smem:$0x3F9F]  }
0x1a: {  	s8 =	sadd.s32 $0xFFFFE003, lr  }
0x1b: {  	s9 =	sadd.s32 $0xFFFFFEF7, lr;
	s5 =	simm.s32 $0xFFFFFFFF;
	p2 =	slt.u32 s8, $0xFFFFF086  }
0x1c: {  	p1 =	slt.u32 s9, $0xF7A;
	s5 =	simm.s32 @!p2 $0x0  }
0x1d: {  	s5 =	simm.s32 @p1 $0x1;
	p0 =	seq.s32 s7, s2  }
0x1e: {  	s7 =	smul.u32 @!p0 $0xF7A, s2;
	p2 =	seq.s32 @!p0 s5, $0x0  }
0x1f: {  	s9 =	smul.u32 $0xF7A, s1;
	s8 =	simm.s32 @!p0 $0x1BF5;
	p2 =	por !p2, p0  }
0x20: {  	[sflag:s8] =	ssyncset.s32 @!p0 $0xFFFFF086;
	s6 =	sadd.s32 @!p0 s3, s7;
	s7 =	simm.s32 @!p0 $0x108  }
0x21: {  	s3 =	sadd.s32 s3, s9;
	s6 =	sadd.s32 @!p0 $0x88, s6;
	s7 =	simm.s32 @p2 $0x1082  }
0x22: {  	[simem:s7], [sflag:s8] =	dma.local @!p0 [hbm:s6], $0xF7A  }
0x23: {  	s9 =	sor.u32 $0xD0000000, s2;
	s6 =	simm.s32 $0x108;
	_ =	swait.ge @!p0 [sflag:s8], $0x0  }
0x24: {  	s3 =	sadd.s32 $0x88, s3;
	s6 =	simm.s32 @!p1 $0x1082;
	[sflag:s4] =	ssyncset.s32 $0xFFFFF086  }
0x25: {  	[simem:s6], [sflag:s4] =	dma.local [hbm:s3], $0xF7A  }
0x26: {  	[smem:$0x3F9F] =	sst s1;
	(tag) =	ssettag s2;
	_ =	strace s9  }
0x27: {  	s1 =	sld [smem:$0x3FAF]  }
0x28: {  	s2 =	sld [smem:$0x3FB0]  }
0x29: {  	s4 =	sld [smem:$0x3FB2]  }
0x2a: {  	p0 =	seq.s32 s5, $0x0;
	s5 =	sld [smem:$0x3FB3]  }
0x2b: {  	s6 =	sld [smem:$0x3FB4]  }
0x2c: {  	s7 =	sld [smem:$0x3FB5]  }
0x2d: {  	s3 =	simm.s32 $0x108;
	s8 =	sld [smem:$0x3FB6]  }
0x2e: {  	s3 =	simm.s32 @!p0 $0x1082;
	s9 =	sld [smem:$0x3FB7]  }
0x2f: {  	lr =	sadd.s32 s0, s3;
	s0 =	sld [smem:$0x3FAE]  }
0x30: {  	s3 =	sld [smem:$0x3FB1]  }
0x31: {  	[smem:$0x3FBA] =	sst s10  }
0x32: {  	s10 =	sld [smem:$0x3FB8];
	_ =	sdelay $0x3  }
0x33: {  	p0 =	seq.s32 s10, $0x1;
	s10 =	sld [smem:$0x3FBA];
	_ =	sdelay $0x3  }
0x34: {  	[smem:$0x3FBA] =	sst s10  }
0x35: {  	s10 =	sld [smem:$0x3FB9];
	_ =	sdelay $0x3  }
0x36: {  	p1 =	seq.s32 s10, $0x1;
	s10 =	sld [smem:$0x3FBA];
	_ =	sdelay $0x3  }
0x37: {  	[smem:$0x3FBA] =	sst s10  }
0x38: {  	s10 =	sld [smem:$0x3FBB]  }
0x39: {  	_ = 	snop;
	(pc) =	sbr.ind lr, $3  }
0x3a: {  	_ = 	snop  }
0x3b: {  	_ = 	snop  }
0x3c: {  	p2 =	seq.s32 s10, $0x1;
	s10 =	sld [smem:$0x3FBA]  }
0x3d: {  	_ =	shalt  }
0x3e: {  	_ =	shalt  }
0x3f: {  	_ =	shalt  }
0x40: {  	_ =	shalt  }
0x41: {  	_ =	shalt  }
0x42: {  	_ =	shalt  }
0x43: {  	_ =	shalt  }
0x44: {  	_ =	shalt  }
0x45: {  	_ =	shalt  }
0x46: {  	_ =	shalt  }
0x47: {  	_ =	shalt  }
0x48: {  	_ =	shalt  }
0x49: {  	_ =	shalt  }
0x4a: {  	_ =	shalt  }
0x4b: {  	_ =	shalt  }
0x4c: {  	_ =	shalt  }
0x4d: {  	_ =	shalt  }
0x4e: {  	_ =	shalt  }
0x4f: {  	_ =	shalt  }
0x50: {  	_ =	shalt  }
0x51: {  	_ =	shalt  }
0x52: {  	_ =	shalt  }
0x53: {  	_ =	shalt  }
0x54: {  	_ =	shalt  }
0x55: {  	_ =	shalt  }
0x56: {  	_ =	shalt  }
0x57: {  	_ =	shalt  }
0x58: {  	_ =	shalt  }
0x59: {  	_ =	shalt  }
0x5a: {  	_ =	shalt  }
0x5b: {  	_ =	shalt  }
0x5c: {  	_ =	shalt  }
0x5d: {  	_ =	shalt  }
0x5e: {  	_ =	shalt  }
0x5f: {  	_ =	shalt  }
0x60: {  	_ =	shalt  }
0x61: {  	_ =	shalt  }
0x62: {  	_ =	shalt  }
0x63: {  	_ =	shalt  }
0x64: {  	_ =	shalt  }
0x65: {  	_ =	shalt  }
0x66: {  	_ =	shalt  }
0x67: {  	_ =	shalt  }
0x68: {  	_ =	shalt  }
0x69: {  	_ =	shalt  }
0x6a: {  	_ =	shalt  }
0x6b: {  	_ =	shalt  }
0x6c: {  	_ =	shalt  }
0x6d: {  	_ =	shalt  }
0x6e: {  	_ =	shalt  }
0x6f: {  	_ =	shalt  }
0x70: {  	_ =	shalt  }
0x71: {  	_ =	shalt  }
0x72: {  	_ =	shalt  }
0x73: {  	_ =	shalt  }
0x74: {  	_ =	shalt  }
0x75: {  	_ =	shalt  }
0x76: {  	_ =	shalt  }
0x77: {  	_ =	shalt  }
0x78: {  	_ =	shalt  }
0x79: {  	_ =	shalt  }
0x7a: {  	_ =	shalt  }
0x7b: {  	_ =	shalt  }
0x7c: {  	_ =	shalt  }
0x7d: {  	_ =	shalt  }
0x7e: {  	_ =	shalt  }
0x7f: {  	_ =	shalt  }
0x80: {  	_ =	shalt  }
0x81: {  	_ =	shalt  }
0x82: {  	_ =	shalt  }
0x83: {  	_ =	shalt  }
0x84: {  	_ =	shalt  }
0x85: {  	_ =	shalt  }
0x86: {  	_ =	shalt  }
0x87: {  	_ =	shalt  }
.Lfunc_end0:
.L_simem_size_0:
called_computation_lowered:
.L_overlay_start_0:
0x88: {  	s2 =	sld [smem:$0x3FD9]  }
0x89: {  	s3 =	sld [smem:$0x3FFE];
	_ =	sdelay $0x1  }
0x8a: {  	s1 =	srdreg.scid  }
0x8b: {  	s0 =	sand.u32 $0x1, s1  }
0x8c: {  	s17 =	sshll.u32 s0, $0xA;
	s2 =	sadd.s32 s3, s2  }
0x8d: {  	s2 =	sadd.s32 s2, s17  }
0x8e: {  	[smem:$0x3FC6] =	sst s2  }
0x8f: {  	_ = 	snop  }
0x90: {  	s2 =	sld [smem:$0x3FC8]  }
0x91: {  	s18 =	sld [smem:$0x3FD0];
	(tm) =	ssettm $0x1  }
0x92: {  	s4 =	sld [smem:$0x3FFB];
	_ =	sdelay $0x3  }
0x93: {  	_ =	strace s4  }
0x94: {  	s4 =	sld [smem:$0x3FFC];
	_ =	sdelay $0x3  }
0x95: {  	_ =	strace s4  }
0x96: {  	s4 =	sld [smem:$0x3FFD];
	_ =	sdelay $0x3  }
0x97: {  	_ =	strace s4  }
0x98: {  	_ =	strace $0x8FFFFFFF  }
0x99: {  	s19 =	sld [smem:$0x3FDB];
	_ =	sdelay $0x1  }
0x9a: {  	s5 =	simm.s32 $_scs_section_size  }
0x9b: {  	s6 =	simm.s32 $_size__tile_overlayer_lowered;
	s7 =	simm.s32 $_tile_overlayer_lowered  }
0x9c: {  	s22 =	simm.s32 $0x1BFF;
	s21 =	sshll.u32 s7, $0x1;
	s4 =	sadd.s32 s5, s19  }
0x9d: {  	s8 =	simm.s32 $0x0;
	s20 =	sshll.u32 s6, $0x1;
	s6 =	sadd.s32 s21, s4  }
0x9e: {  	[timem:s8], [sflag:s22] =	dma.local [hbm:s6], s20  }
0x9f: {  	_ =	swait.ge [sflag:s22], s20  }
0xa0: {  	s5 =	ssub.s32 $0x0, s20;
	[sflag:s22] =	ssyncset.done $0x0  }
0xa1: {  	[sflag:s22] =	ssyncadd.s32 s5;
	_ =	sdelay $0x1  }
0xa2: {  	s23 =	simm.s32 $0x1B8B  }
0xa3: {  	_ =	swait.ge [sflag:s23], $0x1  }
0xa4: {  	[sflag:s23] =	ssyncset.done $0x0  }
0xa5: {  	s25 =	simm.s32 $0x1B8E;
	s24 =	sld [smem:$0x3FFE];
	[sflag:s23] =	ssyncadd.s32 $0xFFFFFFFF  }
0xa6: {  	s26 =	simm.s32 $execute0_lowered;
	[smem:$0x3FD2] =	sst s25  }
0xa7: {  	s6 =	sshll.u32 s26, $0x1;
	_ =	strace $0x80000046;
	[dreg:$0x1] =	wrdreg $0xFFFFFFFF  }
0xa8: {  	s28 =	simm.s32 $_size_execute0_lowered;
	s4 =	sadd.s32 s4, s6;
	[dreg:$0x0] =	wrdreg $0x0  }
0xa9: {  	s6 =	sshll.u32 s28, $0x1;
	[dreg:$0x2] =	wrdreg s4  }
0xaa: {  	[dreg:$0x3] =	wrdreg s6  }
0xab: {  	[dreg:$0x4] =	wrdreg $0xC0  }
0xac: {  	_ =	task [dreg:s8], $0x5FFFF  }
0xad: {  	[dreg:$0x1] =	wrdreg $0xFFFFFFFF  }
0xae: {  	[dreg:$0x0] =	wrdreg $0x60  }
0xaf: {  	[dreg:$0x2] =	wrdreg s2  }
0xb0: {  	[dreg:$0x3] =	wrdreg s18  }
0xb1: {  	[dreg:$0x4] =	wrdreg s24  }
0xb2: {  	[dreg:$0x5] =	wrdreg $0x0  }
0xb3: {  	[dreg:$0x6] =	wrdreg $0x9  }
0xb4: {  	_ =	task.clear_ibuf [dreg:s8], $0x7FFFF;
	_ =	strace $0x90000046  }
0xb5: {  	s29 =	simm.s32 $0x9;
	_ =	strace $0x80000048  }
0xb6: {  	_ =	swait.ge [sflag:s29], $0x1  }
0xb7: {  	[sflag:s29] =	ssyncadd.s32 $0xFFFFFFFF  }
0xb8: {  	_ =	strace $0x90000048  }
0xb9: {  	_ =	sfence  }
0xba: {  	s30 =	sld [smem:$0x0];
	_ =	sdelay $0x2  }
0xbb: {  	s31 =	sshll.u32 s1, $0xD;
	s1 =	sshrl.u32 s1, $0x2  }
0xbc: {  	s3 =	sand.u32 $0x4000, s31;
	s1 =	sadd.s32 s1, s30  }
0xbd: {  	s0 =	sor.u32 s3, s0;
	s1 =	sshll.u32 s1, $0x11  }
0xbe: {  	s0 =	sor.u32 s1, s0  }
0xbf: {  	s0 =	sadd.s32 $0x8F2B, s0  }
0xc0: {  	[sflag:s0] =	ssyncadd.remote.s32 $0x1  }
0xc1: {  	_ =	sfence.sel $0xFFFF  }
0xc2: {  	[dreg:$0x0] =	wrdreg $0xFFFFFFFF;
	(pc) =	sbr.abs _section_cstart, $3  }
0xc3: {  	[dreg:$0x1] =	wrdreg $0xFFFFFFFF  }
0xc4: {  	_ =	task.clear_ibuf [dreg:s8], $0x2FFFF;
	_ =	strace $0x9FFFFFFF  }
0xc5: {  	(tm) =	ssettm $0x7FFFFFFF  }
tec
execute0_lowered:
.L_overlay_start_1:
0x0: {  	(tag) =	ssettag $0x1  }
0x1: {  	s22 =	rddreg [dreg:$0x0]  }
0x2: {  	s4 =	rddreg [dreg:$0x1];
	s1 =	srdreg.scid  }
0x3: {  	s0 =	stileid.u32;
	s2 =	rddreg [dreg:$0x3]  }
0x4: {  	s3 =	simm.s32 $0x0;
	s29 =	sand.u32 $0x1, s1;
	s16 =	sshll.u32 s0, $0x1  }
0x5: {  	[smem:$0x7FF] =	sst s3;
	s5 =	sshll.u32 s0, $0xA;
	s15 =	sshll.u32 s0, $0xD  }
0x6: {  	s1 =	sor.u32 s29, s16;
	_ =	strace $0x80000047;
	s17 =	sadd.s32 s22, s5  }
0x7: {  	s18 =	sadd.s32 s15, s2;
	s19 =	smul.u32 $0xC80, s1;
	[dreg:$0x6] =	wrdreg s17  }
0x8: {  	[dreg:$0x7] =	wrdreg s18  }
0x9: {  	s20 =	sor.u32 $0x20000, s15;
	s7 =	rddreg [dreg:$0x6];
	s4 =	sadd.s32 s4, s19  }
0xa: {  	s21 =	sshrl.u32 s20, $0x3;
	[dreg:$0x5] =	wrdreg s4  }
0xb: {  	s4 =	sadd.s32 s22, s21;
	s6 =	rddreg [dreg:$0x5]  }
0xc: {  	s5 =	sadd.s32 s20, s2;
	[dreg:$0x8] =	wrdreg s4;
	s4 =	simm.s32 $0x11428  }
0xd: {  	[tilespmem:s4], [sflag:$0x2] =	stream.linear.gather [hbm4b:s6+s3], $0x6400, $0x38;
	[tilespmem:$0x1DC28] =	vst v63  }
0xe: {  	[dreg:$0x9] =	wrdreg s5;
	s5 =	simm.s32 $0x3;
	s6 =	simm.s32 $0xF428  }
0xf: {  	[tilespmem:s6], [sflag:$0x3] =	stream.linear.gather [hbm4b:s7+s3], $0x2000, $0x38;
	[tilespmem:$0x1DC28] =	vst v63  }
0x10: {  	_ =	swait.ge [sflag:s5], $0x2000  }
0x11: {  	[sflag:s5] =	ssyncset.done $0x0  }
0x12: {  	s23 =	rddreg [dreg:$0x7];
	[sflag:s5] =	ssyncadd.s32 $0xFFFFE000  }
0x13: {  	[spmem:s23] =	stream.linear.scatter [tilespmem:s6], [sflag:$0x3], $0x2000, $0x38;
	[tilespmem:$0x1DC28] =	vst v63  }
0x14: {  	_ =	swait.ge [sflag:s5], $0x2000  }
0x15: {  	[sflag:s5] =	ssyncset.done $0x0  }
0x16: {  	s24 =	rddreg [dreg:$0x8];
	[sflag:s5] =	ssyncadd.s32 $0xFFFFE000  }
0x17: {  	[tilespmem:s6], [sflag:$0x3] =	stream.linear.gather [hbm4b:s24+s3], $0x2000, $0x38;
	[tilespmem:$0x1DC28] =	vst v63  }
0x18: {  	_ =	swait.ge [sflag:s5], $0x2000  }
0x19: {  	[sflag:s5] =	ssyncset.done $0x0  }
0x1a: {  	s25 =	rddreg [dreg:$0x9];
	[sflag:s5] =	ssyncadd.s32 $0xFFFFE000  }
0x1b: {  	[spmem:s25] =	stream.linear.scatter [tilespmem:s6], [sflag:$0x3], $0x2000, $0x38;
	[tilespmem:$0x1DC28] =	vst v63  }
0x1c: {  	s8 =	sor.u32 $0x40000, s15;
	_ =	swait.ge [sflag:s5], $0x2000  }
0x1d: {  	s26 =	sshrl.u32 s8, $0x3;
	[sflag:s5] =	ssyncset.done $0x0  }
0x1e: {  	s7 =	sadd.s32 s22, s26;
	[sflag:s5] =	ssyncadd.s32 $0xFFFFE000  }
0x1f: {  	[tilespmem:s6], [sflag:$0x3] =	stream.linear.gather [hbm4b:s7+s3], $0x2000, $0x38;
	[tilespmem:$0x1DC28] =	vst v63  }
0x20: {  	_ =	swait.ge [sflag:s5], $0x2000  }
0x21: {  	[sflag:s5] =	ssyncset.done $0x0  }
0x22: {  	s8 =	sadd.s32 s8, s2;
	[sflag:s5] =	ssyncadd.s32 $0xFFFFE000  }
0x23: {  	[spmem:s8] =	stream.linear.scatter [tilespmem:s6], [sflag:$0x3], $0x2000, $0x38;
	[tilespmem:$0x1DC28] =	vst v63  }
0x24: {  	s10 =	sor.u32 $0x60000, s15;
	_ =	swait.ge [sflag:s5], $0x2000  }
0x25: {  	s9 =	sshrl.u32 s10, $0x3;
	[sflag:s5] =	ssyncset.done $0x0  }
0x26: {  	s9 =	sadd.s32 s22, s9;
	[sflag:s5] =	ssyncadd.s32 $0xFFFFE000  }
0x27: {  	[tilespmem:s6], [sflag:$0x3] =	stream.linear.gather [hbm4b:s9+s3], $0x2000, $0x38;
	[tilespmem:$0x1DC28] =	vst v63  }
0x28: {  	_ =	swait.ge [sflag:s5], $0x2000  }
0x29: {  	[sflag:s5] =	ssyncset.done $0x0  }
0x2a: {  	s10 =	sadd.s32 s10, s2;
	[sflag:s5] =	ssyncadd.s32 $0xFFFFE000  }
0x2b: {  	[spmem:s10] =	stream.linear.scatter [tilespmem:s6], [sflag:$0x3], $0x2000, $0x38;
	[tilespmem:$0x1DC28] =	vst v63  }
0x2c: {  	s12 =	sor.u32 $0x80000, s15;
	_ =	swait.ge [sflag:s5], $0x2000  }
0x2d: {  	s11 =	sshrl.u32 s12, $0x3;
	[sflag:s5] =	ssyncset.done $0x0  }
0x2e: {  	s11 =	sadd.s32 s22, s11;
	[sflag:s5] =	ssyncadd.s32 $0xFFFFE000  }
0x2f: {  	[tilespmem:s6], [sflag:$0x3] =	stream.linear.gather [hbm4b:s11+s3], $0x2000, $0x38;
	[tilespmem:$0x1DC28] =	vst v63  }
0x30: {  	_ =	swait.ge [sflag:s5], $0x2000  }
0x31: {  	[sflag:s5] =	ssyncset.done $0x0  }
0x32: {  	s12 =	sadd.s32 s12, s2;
	[sflag:s5] =	ssyncadd.s32 $0xFFFFE000  }
0x33: {  	[spmem:s12] =	stream.linear.scatter [tilespmem:s6], [sflag:$0x3], $0x2000, $0x38;
	[tilespmem:$0x1DC28] =	vst v63  }
0x34: {  	s14 =	sor.u32 $0xA0000, s15;
	_ =	swait.ge [sflag:s5], $0x2000  }
0x35: {  	s13 =	sshrl.u32 s14, $0x3;
	[sflag:s5] =	ssyncset.done $0x0  }
0x36: {  	s13 =	sadd.s32 s22, s13;
	[sflag:s5] =	ssyncadd.s32 $0xFFFFE000  }
0x37: {  	[tilespmem:s6], [sflag:$0x3] =	stream.linear.gather [hbm4b:s13+s3], $0x2000, $0x38;
	[tilespmem:$0x1DC28] =	vst v63  }
0x38: {  	_ =	swait.ge [sflag:s5], $0x2000  }
0x39: {  	[sflag:s5] =	ssyncset.done $0x0  }
0x3a: {  	s14 =	sadd.s32 s14, s2;
	[sflag:s5] =	ssyncadd.s32 $0xFFFFE000  }
0x3b: {  	[spmem:s14] =	stream.linear.scatter [tilespmem:s6], [sflag:$0x3], $0x2000, $0x38;
	[tilespmem:$0x1DC28] =	vst v63  }
0x3c: {  	s16 =	sor.u32 $0xC0000, s15;
	_ =	swait.ge [sflag:s5], $0x2000  }
0x3d: {  	s15 =	sshrl.u32 s16, $0x3;
	[sflag:s5] =	ssyncset.done $0x0  }
0x3e: {  	s15 =	sadd.s32 s22, s15;
	[sflag:s5] =	ssyncadd.s32 $0xFFFFE000  }
0x3f: {  	[tilespmem:s6], [sflag:$0x3] =	stream.linear.gather [hbm4b:s15+s3], $0x2000, $0x38;
	[tilespmem:$0x1DC28] =	vst v63  }
0x40: {  	_ =	swait.ge [sflag:s5], $0x2000  }
0x41: {  	p0 =	sgt.u32 s0, $0x9;
	[sflag:s5] =	ssyncset.done $0x0  }
0x42: {  	p1 =	sne.s32 @p0 s0, $0xA;
	s16 =	sadd.s32 s16, s2;
	[sflag:s5] =	ssyncadd.s32 $0xFFFFE000  }
0x43: {  	[spmem:s16] =	stream.linear.scatter [tilespmem:s6], [sflag:$0x3], $0x2000, $0x38;
	[tilespmem:$0x1DC28] =	vst v63  }
0x44: {  	p1 =	por p1, !p0;
	_ =	swait.ge [sflag:s5], $0x2000  }
0x45: {  	s17 =	sadd.s32 $0x1E800, s22;
	s18 =	simm.s32 @!p1 $0x3;
	[sflag:s5] =	ssyncset.done $0x0  }
0x46: {  	s1 =	simm.s32 @!p1 $0x0;
	s20 =	simm.s32 @!p1 $0xF428;
	[sflag:s5] =	ssyncadd.s32 $0xFFFFE000  }
0x47: {  	[tilespmem:s20], [sflag:$0x3] =	stream.linear.gather @!p1 [hbm4b:s17+s1], $0x240, $0x38;
	[tilespmem:$0x1DC28] =	vst v63  }
0x48: {  	_ =	swait.ge @!p1 [sflag:s18], $0x240  }
0x49: {  	[sflag:s18] =	ssyncset.done @!p1 $0x0  }
0x4a: {  	s21 =	sadd.s32 $0xF4000, s2;
	s26 =	sor.u32 $0x70, s0;
	[sflag:s18] =	ssyncadd.s32 @!p1 $0xFFFFFDC0  }
0x4b: {  	[spmem:s21] =	stream.linear.scatter @!p1 [tilespmem:s20], [sflag:$0x3], $0x240, $0x38;
	[tilespmem:$0x1DC28] =	vst v63  }
0x4c: {  	s23 =	sshll.u32 s26, $0xA;
	_ =	swait.ge @!p1 [sflag:s18], $0x240  }
0x4d: {  	s0 =	simm.s32 @!p0 $0x0;
	s22 =	sadd.s32 s22, s23;
	[sflag:s18] =	ssyncset.done @!p1 $0x0  }
0x4e: {  	s24 =	simm.s32 @!p0 $0xF428;
	s25 =	simm.s32 @!p0 $0x3;
	[sflag:s18] =	ssyncadd.s32 @!p1 $0xFFFFFDC0  }
0x4f: {  	[tilespmem:s24], [sflag:$0x3] =	stream.linear.gather @!p0 [hbm4b:s22+s0], $0x2000, $0x38;
	[tilespmem:$0x1DC28] =	vst v63  }
0x50: {  	_ =	swait.ge @!p0 [sflag:s25], $0x2000  }
0x51: {  	s26 =	sshll.u32 s26, $0xD;
	[sflag:s25] =	ssyncset.done @!p0 $0x0  }
0x52: {  	s26 =	sadd.s32 s26, s2;
	[sflag:s25] =	ssyncadd.s32 @!p0 $0xFFFFE000  }
0x53: {  	[spmem:s26] =	stream.linear.scatter @!p0 [tilespmem:s24], [sflag:$0x3], $0x2000, $0x38;
	[tilespmem:$0x1DC28] =	vst v63  }
0x54: {  	_ =	swait.ge @!p0 [sflag:s25], $0x2000  }
0x55: {  	[sflag:s25] =	ssyncset.done @!p0 $0x0  }
0x56: {  	s28 =	simm.s32 $0x2;
	s1 =	ssub.s32 $0x2, s29;
	[sflag:s25] =	ssyncadd.s32 @!p0 $0xFFFFE000  }
0x57: {  	s23 =	sshrl.u32 s1, $0x1;
	_ =	swait.ge [sflag:s28], $0x6400  }
0x58: {  	s30 =	simm.s32 $0x17828;
	s0 =	ssub.s32 s1, s23;
	[sflag:s28] =	ssyncset.done $0x0  }
0x59: {  	s31 =	simm.s32 $0x1;
	s0 =	smax.u32 s0, $0x1;
	[sflag:s28] =	ssyncadd.s32 $0xFFFF9C00  }
0x5a: {  	s29 =	simm.s32 $0x6400;
	s0 =	sadd.s32 $0xFFFFFFFF, s0;
	[bflag:$0x0] =	sbarrier.arrive $0xFFFF  }
0x5b: {  	[tilespmem:s30], [sflag:$0x1] =	stream.indirect.gather [spmem:s2], $0x1, s4, s29, $0xb8;
	[tilespmem:$0x1DC28] =	vst v63  }
0x5c: {  	p2 =	sne.s32 s0, $0x0;
	_ =	swait.ge [sflag:s31], $0x6400  }
.Ltmp0:
0x5d: {  	s23 =	rddreg [dreg:$0x2];
	(pc) =	sbr.rel @!p2 .LBB2_3-.Ltmp0, $4  }
0x5e: {  	[sflag:s31] =	ssyncset.done $0x0;
	s1 =	sadd.s32 s19, s23  }
0x5f: {  	[sflag:s31] =	ssyncadd.s32 $0xFFFF9C00;
	s1 =	sadd.s32 $0x400, s1  }
0x60: {  	[hbm4b:s1+s3] =	stream.linear.scatter [tilespmem:s30], [sflag:$0x3], $0x6400, $0x38;
	[tilespmem:$0x1DC28] =	vst v63  }
0x61: {  	_ =	swait.ge [sflag:s5], $0x6400  }
0x62: {  	s23 =	smov.u32 s2  }
.LBB2_2:
0x63: {  	[sflag:s5] =	ssyncset.done $0x0  }
0x64: {  	s2 =	rddreg [dreg:$0x5];
	[sflag:s5] =	ssyncadd.s32 $0xFFFF9C00  }
0x65: {  	[tilespmem:s4], [sflag:$0x2] =	stream.linear.gather [hbm4b:s2+s3], $0x6400, $0x38;
	[tilespmem:$0x1DC28] =	vst v63  }
0x66: {  	s19 =	rddreg [dreg:$0x6]  }
0x67: {  	[tilespmem:s6], [sflag:$0x3] =	stream.linear.gather [hbm4b:s19+s3], $0x2000, $0x38;
	[tilespmem:$0x1DC28] =	vst v63  }
0x68: {  	_ =	swait.ge [sflag:s5], $0x2000  }
0x69: {  	[sflag:s5] =	ssyncset.done $0x0  }
0x6a: {  	s19 =	rddreg [dreg:$0x7];
	[sflag:s5] =	ssyncadd.s32 $0xFFFFE000  }
0x6b: {  	[spmem:s19] =	stream.linear.scatter [tilespmem:s6], [sflag:$0x3], $0x2000, $0x38;
	[tilespmem:$0x1DC28] =	vst v63  }
0x6c: {  	_ =	swait.ge [sflag:s5], $0x2000  }
0x6d: {  	[sflag:s5] =	ssyncset.done $0x0  }
0x6e: {  	s19 =	rddreg [dreg:$0x8];
	[sflag:s5] =	ssyncadd.s32 $0xFFFFE000  }
0x6f: {  	[tilespmem:s6], [sflag:$0x3] =	stream.linear.gather [hbm4b:s19+s3], $0x2000, $0x38;
	[tilespmem:$0x1DC28] =	vst v63  }
0x70: {  	_ =	swait.ge [sflag:s5], $0x2000  }
0x71: {  	[sflag:s5] =	ssyncset.done $0x0  }
0x72: {  	s19 =	rddreg [dreg:$0x9];
	[sflag:s5] =	ssyncadd.s32 $0xFFFFE000  }
0x73: {  	[spmem:s19] =	stream.linear.scatter [tilespmem:s6], [sflag:$0x3], $0x2000, $0x38;
	[tilespmem:$0x1DC28] =	vst v63  }
0x74: {  	_ =	swait.ge [sflag:s5], $0x2000  }
0x75: {  	[sflag:s5] =	ssyncset.done $0x0  }
0x76: {  	[sflag:s5] =	ssyncadd.s32 $0xFFFFE000  }
0x77: {  	[tilespmem:s6], [sflag:$0x3] =	stream.linear.gather [hbm4b:s7+s3], $0x2000, $0x38;
	[tilespmem:$0x1DC28] =	vst v63  }
0x78: {  	_ =	swait.ge [sflag:s5], $0x2000  }
0x79: {  	[sflag:s5] =	ssyncset.done $0x0  }
0x7a: {  	[sflag:s5] =	ssyncadd.s32 $0xFFFFE000  }
0x7b: {  	[spmem:s8] =	stream.linear.scatter [tilespmem:s6], [sflag:$0x3], $0x2000, $0x38;
	[tilespmem:$0x1DC28] =	vst v63  }
0x7c: {  	_ =	swait.ge [sflag:s5], $0x2000  }
0x7d: {  	[sflag:s5] =	ssyncset.done $0x0  }
0x7e: {  	[sflag:s5] =	ssyncadd.s32 $0xFFFFE000  }
0x7f: {  	[tilespmem:s6], [sflag:$0x3] =	stream.linear.gather [hbm4b:s9+s3], $0x2000, $0x38;
	[tilespmem:$0x1DC28] =	vst v63  }
0x80: {  	_ =	swait.ge [sflag:s5], $0x2000  }
0x81: {  	[sflag:s5] =	ssyncset.done $0x0  }
0x82: {  	[sflag:s5] =	ssyncadd.s32 $0xFFFFE000  }
0x83: {  	[spmem:s10] =	stream.linear.scatter [tilespmem:s6], [sflag:$0x3], $0x2000, $0x38;
	[tilespmem:$0x1DC28] =	vst v63  }
0x84: {  	_ =	swait.ge [sflag:s5], $0x2000  }
0x85: {  	[sflag:s5] =	ssyncset.done $0x0  }
0x86: {  	[sflag:s5] =	ssyncadd.s32 $0xFFFFE000  }
0x87: {  	[tilespmem:s6], [sflag:$0x3] =	stream.linear.gather [hbm4b:s11+s3], $0x2000, $0x38;
	[tilespmem:$0x1DC28] =	vst v63  }
0x88: {  	_ =	swait.ge [sflag:s5], $0x2000  }
0x89: {  	[sflag:s5] =	ssyncset.done $0x0  }
0x8a: {  	[sflag:s5] =	ssyncadd.s32 $0xFFFFE000  }
0x8b: {  	[spmem:s12] =	stream.linear.scatter [tilespmem:s6], [sflag:$0x3], $0x2000, $0x38;
	[tilespmem:$0x1DC28] =	vst v63  }
0x8c: {  	_ =	swait.ge [sflag:s5], $0x2000  }
0x8d: {  	[sflag:s5] =	ssyncset.done $0x0  }
0x8e: {  	[sflag:s5] =	ssyncadd.s32 $0xFFFFE000  }
0x8f: {  	[tilespmem:s6], [sflag:$0x3] =	stream.linear.gather [hbm4b:s13+s3], $0x2000, $0x38;
	[tilespmem:$0x1DC28] =	vst v63  }
0x90: {  	_ =	swait.ge [sflag:s5], $0x2000  }
0x91: {  	[sflag:s5] =	ssyncset.done $0x0  }
0x92: {  	[sflag:s5] =	ssyncadd.s32 $0xFFFFE000  }
0x93: {  	[spmem:s14] =	stream.linear.scatter [tilespmem:s6], [sflag:$0x3], $0x2000, $0x38;
	[tilespmem:$0x1DC28] =	vst v63  }
0x94: {  	_ =	swait.ge [sflag:s5], $0x2000  }
0x95: {  	[sflag:s5] =	ssyncset.done $0x0  }
0x96: {  	[sflag:s5] =	ssyncadd.s32 $0xFFFFE000  }
0x97: {  	[tilespmem:s6], [sflag:$0x3] =	stream.linear.gather [hbm4b:s15+s3], $0x2000, $0x38;
	[tilespmem:$0x1DC28] =	vst v63  }
0x98: {  	_ =	swait.ge [sflag:s5], $0x2000  }
0x99: {  	[sflag:s5] =	ssyncset.done $0x0  }
0x9a: {  	[sflag:s5] =	ssyncadd.s32 $0xFFFFE000  }
0x9b: {  	[spmem:s16] =	stream.linear.scatter [tilespmem:s6], [sflag:$0x3], $0x2000, $0x38;
	[tilespmem:$0x1DC28] =	vst v63  }
0x9c: {  	_ =	swait.ge [sflag:s5], $0x2000  }
0x9d: {  	[sflag:s5] =	ssyncset.done $0x0  }
0x9e: {  	s2 =	simm.s32 @!p1 $0x0;
	[sflag:s5] =	ssyncadd.s32 $0xFFFFE000  }
0x9f: {  	[tilespmem:s20], [sflag:$0x3] =	stream.linear.gather @!p1 [hbm4b:s17+s2], $0x240, $0x38;
	[tilespmem:$0x1DC28] =	vst v63  }
0xa0: {  	_ =	swait.ge @!p1 [sflag:s18], $0x240  }
0xa1: {  	[sflag:s18] =	ssyncset.done @!p1 $0x0  }
0xa2: {  	[sflag:s18] =	ssyncadd.s32 @!p1 $0xFFFFFDC0  }
0xa3: {  	[spmem:s21] =	stream.linear.scatter @!p1 [tilespmem:s20], [sflag:$0x3], $0x240, $0x38;
	[tilespmem:$0x1DC28] =	vst v63  }
0xa4: {  	_ =	swait.ge @!p1 [sflag:s18], $0x240  }
0xa5: {  	[sflag:s18] =	ssyncset.done @!p1 $0x0  }
0xa6: {  	s2 =	simm.s32 @!p0 $0x0;
	[sflag:s18] =	ssyncadd.s32 @!p1 $0xFFFFFDC0  }
0xa7: {  	[tilespmem:s24], [sflag:$0x3] =	stream.linear.gather @!p0 [hbm4b:s22+s2], $0x2000, $0x38;
	[tilespmem:$0x1DC28] =	vst v63  }
0xa8: {  	_ =	swait.ge @!p0 [sflag:s25], $0x2000  }
0xa9: {  	[sflag:s25] =	ssyncset.done @!p0 $0x0  }
0xaa: {  	[sflag:s25] =	ssyncadd.s32 @!p0 $0xFFFFE000  }
0xab: {  	[spmem:s26] =	stream.linear.scatter @!p0 [tilespmem:s24], [sflag:$0x3], $0x2000, $0x38;
	[tilespmem:$0x1DC28] =	vst v63  }
0xac: {  	_ =	swait.ge @!p0 [sflag:s25], $0x2000  }
0xad: {  	[sflag:s25] =	ssyncset.done @!p0 $0x0  }
0xae: {  	[sflag:s25] =	ssyncadd.s32 @!p0 $0xFFFFE000  }
0xaf: {  	_ =	swait.ge [sflag:s28], $0x6400  }
0xb0: {  	[sflag:s28] =	ssyncset.done $0x0  }
0xb1: {  	s0 =	sadd.s32 $0xFFFFFFFF, s0;
	[sflag:s28] =	ssyncadd.s32 $0xFFFF9C00  }
0xb2: {  	p2 =	sne.s32 s0, $0x0;
	[bflag:$0x0] =	sbarrier.arrive $0xFFFF  }
0xb3: {  	[tilespmem:s30], [sflag:$0x1] =	stream.indirect.gather [spmem:s23], $0x1, s4, s29, $0xb8;
	[tilespmem:$0x1DC28] =	vst v63  }
.Ltmp1:
0xb4: {  	_ =	swait.ge [sflag:s31], $0x6400;
	(pc) =	sbr.rel @p2 .LBB2_2-.Ltmp1, $4  }
0xb5: {  	[sflag:s31] =	ssyncset.done $0x0  }
0xb6: {  	[sflag:s31] =	ssyncadd.s32 $0xFFFF9C00  }
0xb7: {  	[hbm4b:s1+s3] =	stream.linear.scatter [tilespmem:s30], [sflag:$0x3], $0x6400, $0x38;
	[tilespmem:$0x1DC28] =	vst v63  }
0xb8: {  	_ =	swait.ge [sflag:s5], $0x6400  }
.LBB2_3:
0xb9: {  	[sflag:s5] =	ssyncset.done $0x0  }
0xba: {  	[sflag:s5] =	ssyncadd.s32 $0xFFFF9C00  }
0xbb: {  	_ =	sfence.sel $0x180000  }
0xbc: {  	[bflag:$0x0] =	sbarrier.arrive $0xFFFF  }
0xbd: {  	_ =	strace $0x90000047  }
0xbe: {  	s0 =	stileid.u32;
	[bflag:$0x2] =	sbarrier.arrive $0xFFFF  }
0xbf: {  	p0 =	sne.s32 s0, $0x0;
	s0 =	rddreg [dreg:$0x4]  }
0xc0: {  	s0 =	sadd.s32 @!p0 $0x100000, s0  }
0xc1: {  	[sflag:s0] =	ssyncadd.tile.s32 @!p0 $0x1;
	_ =	shalt  }
.Lfunc_end2:
_tile_overlayer_lowered:
.L_overlay_start_2:
0xc2: {  	(tag) =	ssettag $0x2  }
0xc3: {  	s0 =	rddreg [dreg:$0x0];
	s2 =	stileid.u32  }
0xc4: {  	s1 =	rddreg [dreg:$0x1];
	p0 =	sne.s32 s2, $0x0  }
0xc5: {  	s3 =	rddreg [dreg:$0x2];
	[bflag:$0x3] =	sbarrier.arrive $0xFFFF;
	s2 =	simm.s32 @!p0 $0x1C03  }
0xc6: {  	[timem:s3], [sflag:s2] =	dma.local @!p0 [hbm:s0], s1  }
0xc7: {  	s0 =	simm.s32 @!p0 $0x3  }
0xc8: {  	_ =	swait.ge @!p0 [sflag:s0], s1  }
0xc9: {  	s1 =	ssub.s32 @!p0 $0x0, s1;
	[sflag:s0] =	ssyncset.done @!p0 $0x0  }
0xca: {  	[sflag:s0] =	ssyncadd.s32 @!p0 s1  }
0xcb: {  	[bflag:$0x3] =	sbarrier.arrive $0xFFFF  }
0xcc: {  	_ =	shalt  }

</sc_bundles>
